<compile_context>
chip_gen: v7x
topology: tpu7x:2x2x1
jax: 0.10.2.dev20260603
libtpu: 0.0.44.dev20260713+nightly
codegen_flags: <defaults>
</compile_context>

<pallas_src>
import numpy as np
import jax
import jax.numpy as jnp
from jax import lax
from jax.experimental import pallas as pl
from jax.experimental.pallas import tpu as pltpu
from jax.experimental.pallas import tpu_sc as plsc

N_NEG = 24
TEMP = 0.07
B, D, H, W = 16, 32, 224, 224
TB = 2 * B
HW = H * W

_perms = np.stack([np.random.default_rng(1000 + i).permutation(TB)[:N_NEG]
                   for i in range(TB)])
_sel = np.zeros((TB, TB), np.float32)
for _i in range(TB):
    _sel[_i, _perms[_i]] = 1.0


def _sc_select_kernel(tid_hbm, sel_hbm, out_hbm, selrow, tidrow, obuf):
    nc = 2
    wid = lax.axis_index("s") * nc + lax.axis_index("c")
    pltpu.sync_copy(sel_hbm.at[wid], selrow)
    pltpu.sync_copy(tid_hbm, tidrow)

    half = TB // 2
    ci_a = lax.iota(jnp.int32, 16)
    ci_b = ci_a + half
    tid_a = tidrow[pl.ds(0, half)]
    tid_b = tidrow[pl.ds(half, half)]
    tid_i = (jnp.sum(jnp.where(ci_a == wid, tid_a, 0))
             + jnp.sum(jnp.where(ci_b == wid, tid_b, 0)))

    same_a = tid_a == tid_i
    same_b = tid_b == tid_i
    df_a = jnp.where(same_a, 0, 1)
    df_b = jnp.where(same_b, 0, 1)
    sm_a = 1 - df_a
    sm_b = 1 - df_b
    rd_a = jnp.cumsum(df_a) - df_a
    rd_b = jnp.cumsum(df_b) - df_b + jnp.sum(df_a)
    rs_a = jnp.cumsum(sm_a) - sm_a
    rs_b = jnp.cumsum(sm_b) - sm_b + jnp.sum(sm_a)
    n_diff = jnp.sum(df_a) + jnp.sum(df_b)
    posn_a = jnp.where(same_a, n_diff + rs_a, rd_a)
    posn_b = jnp.where(same_b, n_diff + rs_b, rd_b)

    ins_a = plsc.load_gather(selrow, [posn_a])
    ins_b = plsc.load_gather(selrow, [posn_b])
    ins_a = jnp.where(same_a, -ins_a, ins_a)
    ins_b = jnp.where(same_b, -ins_b, ins_b)

    cond_a = same_a & (ci_a != tid_i)
    cond_b = same_b & (ci_b != tid_i)
    first_a = jnp.min(jnp.where(cond_a, ci_a, 2 * TB))
    first_b = jnp.min(jnp.where(cond_b, ci_b, 2 * TB))
    firstc = jnp.minimum(first_a, first_b)
    firstc = jnp.where(firstc == 2 * TB, 0, firstc)

    obuf[pl.ds(0, half)] = ins_a
    obuf[pl.ds(half, half)] = ins_b
    obuf[pl.ds(TB, 16)] = jnp.where(ci_a == 0, jnp.float32(firstc), 0.0)
    pltpu.sync_copy(obuf, out_hbm.at[wid])


def _fused_kernel(feat_ref, lab_ref, ins_ref, first_ref, out_ref, acc_ref):
    i = pl.program_id(0)
    f = feat_ref[0]
    l0 = lab_ref[0, 0]
    l1 = lab_ref[0, 1]
    st0 = jnp.sum(f * l0[None, :, :], axis=(1, 2), keepdims=True)
    st1 = jnp.sum(f * l1[None, :, :], axis=(1, 2), keepdims=True)
    tot = jnp.sum(f, axis=(1, 2), keepdims=True)
    acc_ref[i, :, 0:1] = st0.reshape(D, 1)
    acc_ref[i, :, 1:2] = st1.reshape(D, 1)
    acc_ref[i, :, 2:3] = tot.reshape(D, 1)
    cnt0 = jnp.sum(l0, axis=(0, 1), keepdims=True)
    cnt1 = jnp.sum(l1, axis=(0, 1), keepdims=True)
    acc_ref[i, 0:1, 3:4] = cnt0
    acc_ref[i, 0:1, 4:5] = cnt1

    @pl.when(i == B - 1)
    def _finish():
        st_t = jnp.concatenate([acc_ref[b, :, 0:2] for b in range(B)], axis=1)
        tot_t = jnp.concatenate(
            [acc_ref[b, :, 2:3] for b in range(B) for _ in range(2)], axis=1)
        cnt_r = jnp.concatenate(
            [acc_ref[b, 0:1, 3:5] for b in range(B)], axis=1)

        def normalize(v, c):
            v = v / jnp.maximum(c, 1.0)
            n = jnp.sqrt(jnp.sum(v * v, axis=0, keepdims=True))
            return v / jnp.maximum(n, 1e-12)

        tgt = normalize(st_t, cnt_r)
        bgd = normalize(tot_t - st_t, float(HW) - cnt_r)

        dn = (((0,), (0,)), ((), ()))
        lt = jax.lax.dot_general(tgt, tgt, dn,
                                 preferred_element_type=jnp.float32) / TEMP
        lb = jax.lax.dot_general(tgt, bgd, dn,
                                 preferred_element_type=jnp.float32) / TEMP

        ins = ins_ref[...]
        firstc = first_ref[...]
        sm = jnp.where(ins < -0.5, 1.0, 0.0)
        member = jnp.abs(ins)
        val = jnp.where(sm > 0.5, lb, lt)
        vmask = jnp.where(member > 0.5, val, -1e30)
        nmax = jnp.max(vmask, axis=1, keepdims=True)
        sumexp = jnp.sum(member * jnp.exp(val - nmax), axis=1, keepdims=True)

        cc = jax.lax.broadcasted_iota(jnp.int32, (TB, TB), 1)
        pos_logit = jnp.sum(
            lt * jnp.where(cc == firstc.astype(jnp.int32), 1.0, 0.0),
            axis=1, keepdims=True)

        loss_i = jnp.log(sumexp) - (pos_logit - nmax)
        out_ref[...] = jnp.sum(loss_i, axis=0, keepdims=True) / TB


def kernel(features, labels, tasks):
    b = features.shape[0]
    task_ids = (2 * tasks[:, None]
                + jnp.arange(2, dtype=jnp.int32)[None, :]).reshape(TB)

    mesh = plsc.VectorSubcoreMesh(core_axis_name="c", subcore_axis_name="s")
    sc_fn = pl.kernel(
        _sc_select_kernel,
        mesh=mesh,
        out_type=jax.ShapeDtypeStruct((TB, TB + 16), jnp.float32),
        scratch_types=[
            pltpu.VMEM((TB,), jnp.float32),
            pltpu.VMEM((TB,), jnp.int32),
            pltpu.VMEM((TB + 16,), jnp.float32),
        ],
        compiler_params=pltpu.CompilerParams(needs_layout_passes=False),
    )
    select = sc_fn(task_ids, jnp.asarray(_sel))
    ins = select[:, 0:TB]
    firstc = select[:, TB:TB + 1]

    loss = pl.pallas_call(
        _fused_kernel,
        grid=(b,),
        in_specs=[
            pl.BlockSpec((1, D, H, W), lambda i: (i, 0, 0, 0)),
            pl.BlockSpec((1, 2, H, W), lambda i: (i, 0, 0, 0)),
            pl.BlockSpec((TB, TB), lambda i: (0, 0)),
            pl.BlockSpec((TB, 1), lambda i: (0, 0)),
        ],
        out_specs=pl.BlockSpec((1, 1), lambda i: (0, 0)),
        out_shape=jax.ShapeDtypeStruct((1, 1), jnp.float32),
        scratch_shapes=[pltpu.VMEM((B, D, 128), jnp.float32)],
        compiler_params=pltpu.CompilerParams(
            dimension_semantics=("arbitrary",)),
    )(features, labels, ins, firstc)
    return loss[0, 0]

# --- scband reference (transcript-rebuilt; emitter-appended) ---
"""Pipeline reference for scband-contrastive-loss-71287867179401 (READ-ONLY COPY).

The authoritative reference and input builder live on the scoring server;
editing this copy changes nothing except your own understanding.
"""

import jax, jax.numpy as jnp
import numpy as np

N_NEGATIVES = 24
N_TASKS = 2
TEMPERATURE = 0.07
B, D, H, W = 16, 32, 224, 224


def setup_inputs(seed: int = 0):
    key = jax.random.key(seed)
    k1, k2, k3 = jax.random.split(key, 3)
    features = jax.random.normal(k1, (B, D, H, W), dtype=jnp.float32)
    labels = jax.random.uniform(k2, (B, 2, H, W), dtype=jnp.float32)
    tasks = jax.random.randint(k3, (B,), 0, N_TASKS, dtype=jnp.int32)
    return {"features": features, "labels": labels, "tasks": tasks}


def _prepare_reprs(features, labels_flat):
    b, d, h, w = features.shape
    feats2 = jnp.stack([features, features], axis=1).reshape(b * 2, d, h, w)
    masked = feats2 * labels_flat[:, None, :, :]
    repr_vec = masked.sum(axis=(-1, -2))
    cnt = jnp.maximum(labels_flat.sum(axis=(-1, -2)), 1.0)[:, None]
    repr_vec = repr_vec / cnt
    norm = jnp.linalg.norm(repr_vec, axis=-1, keepdims=True)
    return repr_vec / jnp.maximum(norm, 1e-12)


def _build_indices(task_ids, b, d, n_neg):
    idx = jnp.arange(2 * b)
    same = task_ids[None, :] == task_ids[:, None]
    excl = idx[None, :] != task_ids[:, None]
    pos_idx = jnp.argmax(same & excl, axis=1)
    same_i = same.astype(jnp.int32)
    order = jnp.argsort(same_i, axis=1, stable=True)
    all_idx = order + 2 * b * jnp.take_along_axis(same_i, order, axis=1)
    perms = np.stack(
        [np.random.default_rng(1000 + i).permutation(d)[:n_neg] for i in range(2 * b)]
    )
    neg_idx = jnp.take_along_axis(all_idx, jnp.asarray(perms), axis=1)
    filter_ids = idx
    return filter_ids, pos_idx, neg_idx


def reference(features, labels, tasks):
    b, d, h, w = features.shape
    labels_flat = labels.reshape(b * 2, h, w)
    repr_targets = _prepare_reprs(features, labels_flat)
    repr_backgrounds = _prepare_reprs(features, 1.0 - labels_flat)
    task_ids = (
        jnp.zeros(2 * b, dtype=jnp.int32)
        .at[0::2].set(2 * tasks)
        .at[1::2].set(2 * tasks + 1)
    )
    filter_ids, pos_idx, neg_idx = _build_indices(task_ids, b, d, N_NEGATIVES)
    repr_all = jnp.concatenate([repr_targets, repr_backgrounds], axis=0)
    negatives = repr_all[neg_idx]                      # [n_sel, n_neg, d]
    positives = repr_targets[pos_idx][:, None, :]      # [n_sel, 1, d]
    repr_features = repr_targets[filter_ids][:, :, None]  # [n_sel, d, 1]
    pos_logits = jnp.matmul(positives, repr_features)[..., 0] / TEMPERATURE
    neg_logits = jnp.matmul(negatives, repr_features)[..., 0] / TEMPERATURE
    neg_max = jax.lax.stop_gradient(jnp.max(neg_logits, axis=1, keepdims=True))
    neg_logits = neg_logits - neg_max
    pos_logits = pos_logits - neg_max
    loss = (jnp.log(jnp.exp(neg_logits).sum(axis=1)) - pos_logits[:, 0]).mean()
    return loss

if __name__ == "__main__":
    import jax
    _d = setup_inputs()
    print(jax.jit(kernel)(*tuple(_d.values())))

</pallas_src>

<mosaic_0001>
#map = affine_map<(d0, d1) -> (0)>
#map1 = affine_map<(d0, d1) -> (0, 0)>
module attributes {stable_mosaic.version = 14 : i64} {
  func.func @_sc_select_kernel(%arg0: i32, %arg1: i32, %arg2: memref<32xi32, #tpu.memory_space<hbm>>, %arg3: memref<32x32xf32, #tpu.memory_space<hbm>>, %arg4: memref<32x48xf32, #tpu.memory_space<hbm>>, %arg5: memref<32xf32, #tpu.memory_space<vmem>>, %arg6: memref<32xi32, #tpu.memory_space<vmem>>, %arg7: memref<48xf32, #tpu.memory_space<vmem>>) attributes {dimension_semantics = [#tpu.dimension_semantics<core_parallel>, #tpu.dimension_semantics<subcore_parallel>], iteration_bounds = array<i64: 2, 16>, scalar_prefetch = 0 : i64, scratch_operands = 3 : i64, tpu.core_type = #tpu.core_type<sc_vector_subcore>, window_params = [{transform_indices = #map}, {transform_indices = #map1}, {transform_indices = #map1}]} {
    %mul3A = arith.constant 2 : i32
    %mul3A_0 = arith.muli %arg1, %mul3A : i32
    %add3A = arith.addi %mul3A_0, %arg0 : i32
    "tpu.region"() ({
      %run_scoped3A = tpu.sem_alloc : memref<!tpu.dma_semaphore, #tpu.memory_space<semaphore_mem>>
      %dma_start3A = arith.constant 0 : i32
      %dma_start3A_131 = tpu.memref_slice %arg3[%add3A, %dma_start3A] : memref<32x32xf32, #tpu.memory_space<hbm>> -> memref<1x32xf32, #tpu.memory_space<hbm>>
      %dma_start3A_132 = tpu.memref_squeeze %dma_start3A_131 : memref<1x32xf32, #tpu.memory_space<hbm>> -> memref<32xf32, #tpu.memory_space<hbm>>
      %dma_start3A_133 = arith.constant 0 : i32
      %dma_start3A_134 = tpu.memref_slice %arg3[%add3A, %dma_start3A_133] : memref<32x32xf32, #tpu.memory_space<hbm>> -> memref<1x32xf32, #tpu.memory_space<hbm>>
      %dma_start3A_135 = tpu.memref_squeeze %dma_start3A_134 : memref<1x32xf32, #tpu.memory_space<hbm>> -> memref<32xf32, #tpu.memory_space<hbm>>
      tpu.enqueue_dma source(%dma_start3A_135 : memref<32xf32, #tpu.memory_space<hbm>>) target(%arg5 : memref<32xf32, #tpu.memory_space<vmem>>) target_semaphore(%run_scoped3A : memref<!tpu.dma_semaphore, #tpu.memory_space<semaphore_mem>>)
      %dma_wait3A = arith.constant 0 : i32
      %dma_wait3A_136 = tpu.memref_slice %arg3[%add3A, %dma_wait3A] : memref<32x32xf32, #tpu.memory_space<hbm>> -> memref<1x32xf32, #tpu.memory_space<hbm>>
      %dma_wait3A_137 = tpu.memref_squeeze %dma_wait3A_136 : memref<1x32xf32, #tpu.memory_space<hbm>> -> memref<32xf32, #tpu.memory_space<hbm>>
      %dma_wait3A_138 = arith.constant 0 : i32
      %dma_wait3A_139 = tpu.memref_slice %arg3[%add3A, %dma_wait3A_138] : memref<32x32xf32, #tpu.memory_space<hbm>> -> memref<1x32xf32, #tpu.memory_space<hbm>>
      %dma_wait3A_140 = tpu.memref_squeeze %dma_wait3A_139 : memref<1x32xf32, #tpu.memory_space<hbm>> -> memref<32xf32, #tpu.memory_space<hbm>>
      tpu.wait_dma2 semaphore(%run_scoped3A : memref<!tpu.dma_semaphore, #tpu.memory_space<semaphore_mem>>) src(%dma_wait3A_140 : memref<32xf32, #tpu.memory_space<hbm>>) dst(%arg5 : memref<32xf32, #tpu.memory_space<vmem>>)
      tpu.yield
    }) : () -> ()
    "tpu.region"() ({
      %run_scoped3A = tpu.sem_alloc : memref<!tpu.dma_semaphore, #tpu.memory_space<semaphore_mem>>
      tpu.enqueue_dma source(%arg2 : memref<32xi32, #tpu.memory_space<hbm>>) target(%arg6 : memref<32xi32, #tpu.memory_space<vmem>>) target_semaphore(%run_scoped3A : memref<!tpu.dma_semaphore, #tpu.memory_space<semaphore_mem>>)
      tpu.wait_dma2 semaphore(%run_scoped3A : memref<!tpu.dma_semaphore, #tpu.memory_space<semaphore_mem>>) src(%arg2 : memref<32xi32, #tpu.memory_space<hbm>>) dst(%arg6 : memref<32xi32, #tpu.memory_space<vmem>>)
      tpu.yield
    }) : () -> ()
    %iota3A = tpu.iota {dimensions = array<i32: 0>} : vector<16xi32>
    %add3A_1 = arith.constant 16 : i32
    %add3A_2 = vector.broadcast %add3A_1 : i32 to vector<16xi32>
    %add3A_3 = arith.addi %iota3A, %add3A_2 : vector<16xi32>
    %get3A = arith.constant 0 : index
    %get3A_4 = tpu.vector_load %arg6[%get3A] {strides = array<i32>} : memref<32xi32, #tpu.memory_space<vmem>>, vector<16xi32>,
    %get3A_5 = arith.constant 16 : index
    %get3A_6 = tpu.vector_load %arg6[%get3A_5] {strides = array<i32>} : memref<32xi32, #tpu.memory_space<vmem>>, vector<16xi32>,
    %eq3A = vector.broadcast %add3A : i32 to vector<16xi32>
    %eq3A_7 = arith.cmpi eq, %iota3A, %eq3A : vector<16xi32>
    %jit3A = arith.constant 0 : i32
    %broadcast_in_dim3A = vector.broadcast %jit3A : i32 to vector<16xi32>
    %select_n3A = arith.select %eq3A_7, %get3A_4, %broadcast_in_dim3A : vector<16xi1>, vector<16xi32>
    %reduce_sum3A = arith.constant true
    %reduce_sum3A_8 = vector.broadcast %reduce_sum3A : i1 to vector<16xi1>
    %reduce_sum3A_9 = tpu.scan <sum>, %select_n3A masked %reduce_sum3A_8 : vector<16xi32>, vector<16xi1> -> vector<16xi32>
    %reduce_sum3A_10 = vector.extract %reduce_sum3A_9[15] : i32 from vector<16xi32>
    %eq3A_11 = vector.broadcast %add3A : i32 to vector<16xi32>
    %eq3A_12 = arith.cmpi eq, %add3A_3, %eq3A_11 : vector<16xi32>
    %jit3A_13 = arith.constant 0 : i32
    %broadcast_in_dim3A_14 = vector.broadcast %jit3A_13 : i32 to vector<16xi32>
    %select_n3A_15 = arith.select %eq3A_12, %get3A_6, %broadcast_in_dim3A_14 : vector<16xi1>, vector<16xi32>
    %reduce_sum3A_16 = arith.constant true
    %reduce_sum3A_17 = vector.broadcast %reduce_sum3A_16 : i1 to vector<16xi1>
    %reduce_sum3A_18 = tpu.scan <sum>, %select_n3A_15 masked %reduce_sum3A_17 : vector<16xi32>, vector<16xi1> -> vector<16xi32>
    %reduce_sum3A_19 = vector.extract %reduce_sum3A_18[15] : i32 from vector<16xi32>
    %add3A_20 = arith.addi %reduce_sum3A_10, %reduce_sum3A_19 : i32
    %eq3A_21 = vector.broadcast %add3A_20 : i32 to vector<16xi32>
    %eq3A_22 = arith.cmpi eq, %get3A_4, %eq3A_21 : vector<16xi32>
    %eq3A_23 = vector.broadcast %add3A_20 : i32 to vector<16xi32>
    %eq3A_24 = arith.cmpi eq, %get3A_6, %eq3A_23 : vector<16xi32>
    %jit3A_25 = arith.constant 0 : i32
    %jit3A_26 = arith.constant 1 : i32
    %broadcast_in_dim3A_27 = vector.broadcast %jit3A_25 : i32 to vector<16xi32>
    %broadcast_in_dim3A_28 = vector.broadcast %jit3A_26 : i32 to vector<16xi32>
    %select_n3A_29 = arith.select %eq3A_22, %broadcast_in_dim3A_27, %broadcast_in_dim3A_28 : vector<16xi1>, vector<16xi32>
    %jit3A_30 = arith.constant 0 : i32
    %jit3A_31 = arith.constant 1 : i32
    %broadcast_in_dim3A_32 = vector.broadcast %jit3A_30 : i32 to vector<16xi32>
    %broadcast_in_dim3A_33 = vector.broadcast %jit3A_31 : i32 to vector<16xi32>
    %select_n3A_34 = arith.select %eq3A_24, %broadcast_in_dim3A_32, %broadcast_in_dim3A_33 : vector<16xi1>, vector<16xi32>
    %sub3A = arith.constant 1 : i32
    %sub3A_35 = vector.broadcast %sub3A : i32 to vector<16xi32>
    %sub3A_36 = arith.subi %sub3A_35, %select_n3A_29 : vector<16xi32>
    %sub3A_37 = arith.constant 1 : i32
    %sub3A_38 = vector.broadcast %sub3A_37 : i32 to vector<16xi32>
    %sub3A_39 = arith.subi %sub3A_38, %select_n3A_34 : vector<16xi32>
    %cumsum3A = arith.constant true
    %cumsum3A_40 = vector.broadcast %cumsum3A : i1 to vector<16xi1>
    %cumsum3A_41 = tpu.scan <sum>, %select_n3A_29 masked %cumsum3A_40 : vector<16xi32>, vector<16xi1> -> vector<16xi32>
    %sub3A_42 = arith.subi %cumsum3A_41, %select_n3A_29 : vector<16xi32>
    %cumsum3A_43 = arith.constant true
    %cumsum3A_44 = vector.broadcast %cumsum3A_43 : i1 to vector<16xi1>
    %cumsum3A_45 = tpu.scan <sum>, %select_n3A_34 masked %cumsum3A_44 : vector<16xi32>, vector<16xi1> -> vector<16xi32>
    %sub3A_46 = arith.subi %cumsum3A_45, %select_n3A_34 : vector<16xi32>
    %reduce_sum3A_47 = arith.constant true
    %reduce_sum3A_48 = vector.broadcast %reduce_sum3A_47 : i1 to vector<16xi1>
    %reduce_sum3A_49 = tpu.scan <sum>, %select_n3A_29 masked %reduce_sum3A_48 : vector<16xi32>, vector<16xi1> -> vector<16xi32>
    %reduce_sum3A_50 = vector.extract %reduce_sum3A_49[15] : i32 from vector<16xi32>
    %add3A_51 = vector.broadcast %reduce_sum3A_50 : i32 to vector<16xi32>
    %add3A_52 = arith.addi %sub3A_46, %add3A_51 : vector<16xi32>
    %cumsum3A_53 = arith.constant true
    %cumsum3A_54 = vector.broadcast %cumsum3A_53 : i1 to vector<16xi1>
    %cumsum3A_55 = tpu.scan <sum>, %sub3A_36 masked %cumsum3A_54 : vector<16xi32>, vector<16xi1> -> vector<16xi32>
    %sub3A_56 = arith.subi %cumsum3A_55, %sub3A_36 : vector<16xi32>
    %cumsum3A_57 = arith.constant true
    %cumsum3A_58 = vector.broadcast %cumsum3A_57 : i1 to vector<16xi1>
    %cumsum3A_59 = tpu.scan <sum>, %sub3A_39 masked %cumsum3A_58 : vector<16xi32>, vector<16xi1> -> vector<16xi32>
    %sub3A_60 = arith.subi %cumsum3A_59, %sub3A_39 : vector<16xi32>
    %reduce_sum3A_61 = arith.constant true
    %reduce_sum3A_62 = vector.broadcast %reduce_sum3A_61 : i1 to vector<16xi1>
    %reduce_sum3A_63 = tpu.scan <sum>, %sub3A_36 masked %reduce_sum3A_62 : vector<16xi32>, vector<16xi1> -> vector<16xi32>
    %reduce_sum3A_64 = vector.extract %reduce_sum3A_63[15] : i32 from vector<16xi32>
    %add3A_65 = vector.broadcast %reduce_sum3A_64 : i32 to vector<16xi32>
    %add3A_66 = arith.addi %sub3A_60, %add3A_65 : vector<16xi32>
    %reduce_sum3A_67 = arith.constant true
    %reduce_sum3A_68 = vector.broadcast %reduce_sum3A_67 : i1 to vector<16xi1>
    %reduce_sum3A_69 = tpu.scan <sum>, %select_n3A_29 masked %reduce_sum3A_68 : vector<16xi32>, vector<16xi1> -> vector<16xi32>
    %reduce_sum3A_70 = vector.extract %reduce_sum3A_69[15] : i32 from vector<16xi32>
    %reduce_sum3A_71 = arith.constant true
    %reduce_sum3A_72 = vector.broadcast %reduce_sum3A_71 : i1 to vector<16xi1>
    %reduce_sum3A_73 = tpu.scan <sum>, %select_n3A_34 masked %reduce_sum3A_72 : vector<16xi32>, vector<16xi1> -> vector<16xi32>
    %reduce_sum3A_74 = vector.extract %reduce_sum3A_73[15] : i32 from vector<16xi32>
    %add3A_75 = arith.addi %reduce_sum3A_70, %reduce_sum3A_74 : i32
    %add3A_76 = vector.broadcast %add3A_75 : i32 to vector<16xi32>
    %add3A_77 = arith.addi %add3A_76, %sub3A_56 : vector<16xi32>
    %select_n3A_78 = arith.select %eq3A_22, %add3A_77, %sub3A_42 : vector<16xi1>, vector<16xi32>
    %add3A_79 = vector.broadcast %add3A_75 : i32 to vector<16xi32>
    %add3A_80 = arith.addi %add3A_79, %add3A_66 : vector<16xi32>
    %select_n3A_81 = arith.select %eq3A_24, %add3A_80, %add3A_52 : vector<16xi1>, vector<16xi32>
    %gather3A = tpu.vector_load_idx %arg5[%select_n3A_78] : memref<32xf32, #tpu.memory_space<vmem>>[vector<16xi32>], vector<16xf32>,
    %gather3A_82 = tpu.vector_load_idx %arg5[%select_n3A_81] : memref<32xf32, #tpu.memory_space<vmem>>[vector<16xi32>], vector<16xf32>,
    %neg3A = arith.constant 0.000000e+00 : f32
    %neg3A_83 = vector.broadcast %neg3A : f32 to vector<16xf32>
    %neg3A_84 = arith.subf %neg3A_83, %gather3A : vector<16xf32>
    %select_n3A_85 = arith.select %eq3A_22, %neg3A_84, %gather3A : vector<16xi1>, vector<16xf32>
    %neg3A_86 = arith.constant 0.000000e+00 : f32
    %neg3A_87 = vector.broadcast %neg3A_86 : f32 to vector<16xf32>
    %neg3A_88 = arith.subf %neg3A_87, %gather3A_82 : vector<16xf32>
    %select_n3A_89 = arith.select %eq3A_24, %neg3A_88, %gather3A_82 : vector<16xi1>, vector<16xf32>
    %ne3A = vector.broadcast %add3A_20 : i32 to vector<16xi32>
    %ne3A_90 = arith.cmpi ne, %iota3A, %ne3A : vector<16xi32>
    %and3A = arith.andi %eq3A_22, %ne3A_90 : vector<16xi1>
    %ne3A_91 = vector.broadcast %add3A_20 : i32 to vector<16xi32>
    %ne3A_92 = arith.cmpi ne, %add3A_3, %ne3A_91 : vector<16xi32>
    %and3A_93 = arith.andi %eq3A_24, %ne3A_92 : vector<16xi1>
    %jit3A_94 = arith.constant 64 : i32
    %broadcast_in_dim3A_95 = vector.broadcast %jit3A_94 : i32 to vector<16xi32>
    %select_n3A_96 = arith.select %and3A, %iota3A, %broadcast_in_dim3A_95 : vector<16xi1>, vector<16xi32>
    %reduce_min3A = arith.constant true
    %reduce_min3A_97 = vector.broadcast %reduce_min3A : i1 to vector<16xi1>
    %reduce_min3A_98 = arith.constant -2147483648 : i32
    %reduce_min3A_99 = vector.broadcast %reduce_min3A_98 : i32 to vector<16xi32>
    %reduce_min3A_100 = arith.xori %select_n3A_96, %reduce_min3A_99 : vector<16xi32>
    %reduce_min3A_101 = tpu.scan <min>, %reduce_min3A_100 masked %reduce_min3A_97 : vector<16xi32>, vector<16xi1> -> vector<16xi32>
    %reduce_min3A_102 = arith.xori %reduce_min3A_101, %reduce_min3A_99 : vector<16xi32>
    %reduce_min3A_103 = vector.extract %reduce_min3A_102[15] : i32 from vector<16xi32>
    %jit3A_104 = arith.constant 64 : i32
    %broadcast_in_dim3A_105 = vector.broadcast %jit3A_104 : i32 to vector<16xi32>
    %select_n3A_106 = arith.select %and3A_93, %add3A_3, %broadcast_in_dim3A_105 : vector<16xi1>, vector<16xi32>
    %reduce_min3A_107 = arith.constant true
    %reduce_min3A_108 = vector.broadcast %reduce_min3A_107 : i1 to vector<16xi1>
    %reduce_min3A_109 = arith.constant -2147483648 : i32
    %reduce_min3A_110 = vector.broadcast %reduce_min3A_109 : i32 to vector<16xi32>
    %reduce_min3A_111 = arith.xori %select_n3A_106, %reduce_min3A_110 : vector<16xi32>
    %reduce_min3A_112 = tpu.scan <min>, %reduce_min3A_111 masked %reduce_min3A_108 : vector<16xi32>, vector<16xi1> -> vector<16xi32>
    %reduce_min3A_113 = arith.xori %reduce_min3A_112, %reduce_min3A_110 : vector<16xi32>
    %reduce_min3A_114 = vector.extract %reduce_min3A_113[15] : i32 from vector<16xi32>
    %min3A = arith.minsi %reduce_min3A_103, %reduce_min3A_114 : i32
    %eq3A_115 = arith.constant 64 : i32
    %eq3A_116 = arith.cmpi eq, %min3A, %eq3A_115 : i32
    %jit3A_117 = arith.constant 0 : i32
    %select_n3A_118 = arith.select %eq3A_116, %jit3A_117, %min3A : i32
    %swap3A = arith.constant 0 : index
    %swap3A_119 = tpu.vector_load %arg7[%swap3A] {strides = array<i32>} : memref<48xf32, #tpu.memory_space<vmem>>, vector<16xf32>,
    tpu.vector_store %arg7[%swap3A], %select_n3A_85 {strides = array<i32>} : memref<48xf32, #tpu.memory_space<vmem>>, vector<16xf32>,
    %swap3A_120 = arith.constant 16 : index
    %swap3A_121 = tpu.vector_load %arg7[%swap3A_120] {strides = array<i32>} : memref<48xf32, #tpu.memory_space<vmem>>, vector<16xf32>,
    tpu.vector_store %arg7[%swap3A_120], %select_n3A_89 {strides = array<i32>} : memref<48xf32, #tpu.memory_space<vmem>>, vector<16xf32>,
    %eq3A_122 = arith.constant 0 : i32
    %eq3A_123 = vector.broadcast %eq3A_122 : i32 to vector<16xi32>
    %eq3A_124 = arith.cmpi eq, %iota3A, %eq3A_123 : vector<16xi32>
    %convert_element_type3A = arith.sitofp %select_n3A_118 : i32 to f32
    %jit3A_125 = arith.constant 0.000000e+00 : f32
    %broadcast_in_dim3A_126 = vector.broadcast %convert_element_type3A : f32 to vector<16xf32>
    %broadcast_in_dim3A_127 = vector.broadcast %jit3A_125 : f32 to vector<16xf32>
    %select_n3A_128 = arith.select %eq3A_124, %broadcast_in_dim3A_126, %broadcast_in_dim3A_127 : vector<16xi1>, vector<16xf32>
    %swap3A_129 = arith.constant 32 : index
    %swap3A_130 = tpu.vector_load %arg7[%swap3A_129] {strides = array<i32>} : memref<48xf32, #tpu.memory_space<vmem>>, vector<16xf32>,
    tpu.vector_store %arg7[%swap3A_129], %select_n3A_128 {strides = array<i32>} : memref<48xf32, #tpu.memory_space<vmem>>, vector<16xf32>,
    "tpu.region"() ({
      %run_scoped3A = tpu.sem_alloc : memref<!tpu.dma_semaphore, #tpu.memory_space<semaphore_mem>>
      %dma_start3A = arith.constant 0 : i32
      %dma_start3A_131 = tpu.memref_slice %arg4[%add3A, %dma_start3A] : memref<32x48xf32, #tpu.memory_space<hbm>> -> memref<1x48xf32, #tpu.memory_space<hbm>>
      %dma_start3A_132 = tpu.memref_squeeze %dma_start3A_131 : memref<1x48xf32, #tpu.memory_space<hbm>> -> memref<48xf32, #tpu.memory_space<hbm>>
      %dma_start3A_133 = arith.constant 0 : i32
      %dma_start3A_134 = tpu.memref_slice %arg4[%add3A, %dma_start3A_133] : memref<32x48xf32, #tpu.memory_space<hbm>> -> memref<1x48xf32, #tpu.memory_space<hbm>>
      %dma_start3A_135 = tpu.memref_squeeze %dma_start3A_134 : memref<1x48xf32, #tpu.memory_space<hbm>> -> memref<48xf32, #tpu.memory_space<hbm>>
      tpu.enqueue_dma source(%arg7 : memref<48xf32, #tpu.memory_space<vmem>>) target(%dma_start3A_135 : memref<48xf32, #tpu.memory_space<hbm>>) target_semaphore(%run_scoped3A : memref<!tpu.dma_semaphore, #tpu.memory_space<semaphore_mem>>)
      %dma_wait3A = arith.constant 0 : i32
      %dma_wait3A_136 = tpu.memref_slice %arg4[%add3A, %dma_wait3A] : memref<32x48xf32, #tpu.memory_space<hbm>> -> memref<1x48xf32, #tpu.memory_space<hbm>>
      %dma_wait3A_137 = tpu.memref_squeeze %dma_wait3A_136 : memref<1x48xf32, #tpu.memory_space<hbm>> -> memref<48xf32, #tpu.memory_space<hbm>>
      %dma_wait3A_138 = arith.constant 0 : i32
      %dma_wait3A_139 = tpu.memref_slice %arg4[%add3A, %dma_wait3A_138] : memref<32x48xf32, #tpu.memory_space<hbm>> -> memref<1x48xf32, #tpu.memory_space<hbm>>
      %dma_wait3A_140 = tpu.memref_squeeze %dma_wait3A_139 : memref<1x48xf32, #tpu.memory_space<hbm>> -> memref<48xf32, #tpu.memory_space<hbm>>
      tpu.wait_dma2 semaphore(%run_scoped3A : memref<!tpu.dma_semaphore, #tpu.memory_space<semaphore_mem>>) src(%arg7 : memref<48xf32, #tpu.memory_space<vmem>>) dst(%dma_wait3A_140 : memref<48xf32, #tpu.memory_space<hbm>>)
      tpu.yield
    }) : () -> ()
    return
  }
}

module attributes {stable_mosaic.version = 14 : i64} {
  func.func @_fused_kernel(%arg0: i32, %arg1: memref<1x32x224x224xf32, #tpu.memory_space<vmem>>, %arg2: memref<1x2x224x224xf32, #tpu.memory_space<vmem>>, %arg3: memref<32x32xf32, #tpu.memory_space<vmem>>, %arg4: memref<32x1xf32, #tpu.memory_space<vmem>>, %arg5: memref<1x1xf32, #tpu.memory_space<vmem>>, %arg6: memref<16x32x128xf32, #tpu.memory_space<vmem>>) attributes {dimension_semantics = [#tpu.dimension_semantics<arbitrary>], iteration_bounds = array<i64: 16>, scalar_prefetch = 0 : i64, scratch_operands = 1 : i64, tpu.core_type = #tpu.core_type<tc>, window_params = [{transform_indices = @transform_0, window_bounds = array<i64: 1, 32, 224, 224>}, {transform_indices = @transform_1, window_bounds = array<i64: 1, 2, 224, 224>}, {pipeline_mode = #tpu.pipeline_mode<synchronous>, transform_indices = @transform_2, window_bounds = array<i64: 32, 32>}, {pipeline_mode = #tpu.pipeline_mode<synchronous>, transform_indices = @transform_3, window_bounds = array<i64: 32, 1>}, {pipeline_mode = #tpu.pipeline_mode<synchronous>, transform_indices = @transform_4, window_bounds = array<i64: 1, 1>}]} {
    %get3A = arith.constant 0 : index
    %get3A_0 = arith.constant 0 : index
    %get3A_1 = arith.constant 0 : index
    %get3A_2 = arith.constant 0 : index
    %get3A_3 = vector.load %arg1[%get3A, %get3A_0, %get3A_1, %get3A_2] : memref<1x32x224x224xf32, #tpu.memory_space<vmem>>, vector<1x32x224x224xf32>
    %get3A_4 = vector.shape_cast %get3A_3 : vector<1x32x224x224xf32> to vector<32x224x224xf32>
    %get3A_5 = arith.constant 0 : index
    %get3A_6 = arith.constant 0 : index
    %get3A_7 = arith.constant 0 : index
    %get3A_8 = arith.constant 0 : index
    %get3A_9 = vector.load %arg2[%get3A_5, %get3A_6, %get3A_7, %get3A_8] : memref<1x2x224x224xf32, #tpu.memory_space<vmem>>, vector<1x1x224x224xf32>
    %get3A_10 = vector.shape_cast %get3A_9 : vector<1x1x224x224xf32> to vector<224x224xf32>
    %get3A_11 = arith.constant 0 : index
    %get3A_12 = arith.constant 1 : index
    %get3A_13 = arith.constant 0 : index
    %get3A_14 = arith.constant 0 : index
    %get3A_15 = vector.load %arg2[%get3A_11, %get3A_12, %get3A_13, %get3A_14] : memref<1x2x224x224xf32, #tpu.memory_space<vmem>>, vector<1x1x224x224xf32>
    %get3A_16 = vector.shape_cast %get3A_15 : vector<1x1x224x224xf32> to vector<224x224xf32>
    %broadcast_in_dim3A = vector.shape_cast %get3A_10 : vector<224x224xf32> to vector<1x224x224xf32>
    %mul3A = vector.broadcast %broadcast_in_dim3A : vector<1x224x224xf32> to vector<32x224x224xf32>
    %mul3A_17 = arith.mulf %get3A_4, %mul3A : vector<32x224x224xf32>
    %reduce_sum3A = arith.constant dense<0.000000e+00> : vector<32xf32>
    %reduce_sum3A_18 = vector.multi_reduction <add>, %mul3A_17, %reduce_sum3A [1, 2] : vector<32x224x224xf32> to vector<32xf32>
    %broadcast_in_dim3A_19 = vector.shape_cast %reduce_sum3A_18 : vector<32xf32> to vector<32x1x1xf32>
    %broadcast_in_dim3A_20 = vector.shape_cast %get3A_16 : vector<224x224xf32> to vector<1x224x224xf32>
    %mul3A_21 = vector.broadcast %broadcast_in_dim3A_20 : vector<1x224x224xf32> to vector<32x224x224xf32>
    %mul3A_22 = arith.mulf %get3A_4, %mul3A_21 : vector<32x224x224xf32>
    %reduce_sum3A_23 = arith.constant dense<0.000000e+00> : vector<32xf32>
    %reduce_sum3A_24 = vector.multi_reduction <add>, %mul3A_22, %reduce_sum3A_23 [1, 2] : vector<32x224x224xf32> to vector<32xf32>
    %broadcast_in_dim3A_25 = vector.shape_cast %reduce_sum3A_24 : vector<32xf32> to vector<32x1x1xf32>
    %reduce_sum3A_26 = arith.constant dense<0.000000e+00> : vector<32xf32>
    %reduce_sum3A_27 = vector.multi_reduction <add>, %get3A_4, %reduce_sum3A_26 [1, 2] : vector<32x224x224xf32> to vector<32xf32>
    %broadcast_in_dim3A_28 = vector.shape_cast %reduce_sum3A_27 : vector<32xf32> to vector<32x1x1xf32>
    %reshape3A = vector.shape_cast %broadcast_in_dim3A_19 : vector<32x1x1xf32> to vector<32x1xf32>
    %swap3A = arith.index_cast %arg0 : i32 to index
    %swap3A_29 = arith.constant 0 : index
    %swap3A_30 = arith.constant 0 : index
    %swap3A_31 = vector.load %arg6[%swap3A, %swap3A_29, %swap3A_30] : memref<16x32x128xf32, #tpu.memory_space<vmem>>, vector<1x32x1xf32>
    %swap3A_32 = vector.shape_cast %swap3A_31 : vector<1x32x1xf32> to vector<32x1xf32>
    %swap3A_33 = vector.shape_cast %reshape3A : vector<32x1xf32> to vector<1x32x1xf32>
    tpu.vector_store %arg6[%swap3A, %swap3A_29, %swap3A_30], %swap3A_33 {strides = array<i32>} : memref<16x32x128xf32, #tpu.memory_space<vmem>>, vector<1x32x1xf32>,
    %reshape3A_34 = vector.shape_cast %broadcast_in_dim3A_25 : vector<32x1x1xf32> to vector<32x1xf32>
    %swap3A_35 = arith.index_cast %arg0 : i32 to index
    %swap3A_36 = arith.constant 0 : index
    %swap3A_37 = arith.constant 1 : index
    %swap3A_38 = vector.load %arg6[%swap3A_35, %swap3A_36, %swap3A_37] : memref<16x32x128xf32, #tpu.memory_space<vmem>>, vector<1x32x1xf32>
    %swap3A_39 = vector.shape_cast %swap3A_38 : vector<1x32x1xf32> to vector<32x1xf32>
    %swap3A_40 = vector.shape_cast %reshape3A_34 : vector<32x1xf32> to vector<1x32x1xf32>
    tpu.vector_store %arg6[%swap3A_35, %swap3A_36, %swap3A_37], %swap3A_40 {strides = array<i32>} : memref<16x32x128xf32, #tpu.memory_space<vmem>>, vector<1x32x1xf32>,
    %reshape3A_41 = vector.shape_cast %broadcast_in_dim3A_28 : vector<32x1x1xf32> to vector<32x1xf32>
    %swap3A_42 = arith.index_cast %arg0 : i32 to index
    %swap3A_43 = arith.constant 0 : index
    %swap3A_44 = arith.constant 2 : index
    %swap3A_45 = vector.load %arg6[%swap3A_42, %swap3A_43, %swap3A_44] : memref<16x32x128xf32, #tpu.memory_space<vmem>>, vector<1x32x1xf32>
    %swap3A_46 = vector.shape_cast %swap3A_45 : vector<1x32x1xf32> to vector<32x1xf32>
    %swap3A_47 = vector.shape_cast %reshape3A_41 : vector<32x1xf32> to vector<1x32x1xf32>
    tpu.vector_store %arg6[%swap3A_42, %swap3A_43, %swap3A_44], %swap3A_47 {strides = array<i32>} : memref<16x32x128xf32, #tpu.memory_space<vmem>>, vector<1x32x1xf32>,
    %reduce_sum3A_48 = vector.shape_cast %get3A_10 : vector<224x224xf32> to vector<1x224x224xf32>
    %reduce_sum3A_49 = arith.constant dense<0.000000e+00> : vector<1xf32>
    %reduce_sum3A_50 = vector.multi_reduction <add>, %reduce_sum3A_48, %reduce_sum3A_49 [1, 2] : vector<1x224x224xf32> to vector<1xf32>
    %reduce_sum3A_51 = vector.shape_cast %reduce_sum3A_50 : vector<1xf32> to vector<1x1x1xf32>
    %reduce_sum3A_52 = vector.extract %reduce_sum3A_51[0, 0, 0] : f32 from vector<1x1x1xf32>
    %broadcast_in_dim3A_53 = vector.broadcast %reduce_sum3A_52 : f32 to vector<1x1xf32>
    %reduce_sum3A_54 = vector.shape_cast %get3A_16 : vector<224x224xf32> to vector<1x224x224xf32>
    %reduce_sum3A_55 = arith.constant dense<0.000000e+00> : vector<1xf32>
    %reduce_sum3A_56 = vector.multi_reduction <add>, %reduce_sum3A_54, %reduce_sum3A_55 [1, 2] : vector<1x224x224xf32> to vector<1xf32>
    %reduce_sum3A_57 = vector.shape_cast %reduce_sum3A_56 : vector<1xf32> to vector<1x1x1xf32>
    %reduce_sum3A_58 = vector.extract %reduce_sum3A_57[0, 0, 0] : f32 from vector<1x1x1xf32>
    %broadcast_in_dim3A_59 = vector.broadcast %reduce_sum3A_58 : f32 to vector<1x1xf32>
    %swap3A_60 = arith.index_cast %arg0 : i32 to index
    %swap3A_61 = arith.constant 0 : index
    %swap3A_62 = arith.constant 3 : index
    %swap3A_63 = vector.load %arg6[%swap3A_60, %swap3A_61, %swap3A_62] : memref<16x32x128xf32, #tpu.memory_space<vmem>>, vector<1x1x1xf32>
    %swap3A_64 = vector.shape_cast %swap3A_63 : vector<1x1x1xf32> to vector<1x1xf32>
    %swap3A_65 = vector.shape_cast %broadcast_in_dim3A_53 : vector<1x1xf32> to vector<1x1x1xf32>
    tpu.vector_store %arg6[%swap3A_60, %swap3A_61, %swap3A_62], %swap3A_65 {strides = array<i32>} : memref<16x32x128xf32, #tpu.memory_space<vmem>>, vector<1x1x1xf32>,
    %swap3A_66 = arith.index_cast %arg0 : i32 to index
    %swap3A_67 = arith.constant 0 : index
    %swap3A_68 = arith.constant 4 : index
    %swap3A_69 = vector.load %arg6[%swap3A_66, %swap3A_67, %swap3A_68] : memref<16x32x128xf32, #tpu.memory_space<vmem>>, vector<1x1x1xf32>
    %swap3A_70 = vector.shape_cast %swap3A_69 : vector<1x1x1xf32> to vector<1x1xf32>
    %swap3A_71 = vector.shape_cast %broadcast_in_dim3A_59 : vector<1x1xf32> to vector<1x1x1xf32>
    tpu.vector_store %arg6[%swap3A_66, %swap3A_67, %swap3A_68], %swap3A_71 {strides = array<i32>} : memref<16x32x128xf32, #tpu.memory_space<vmem>>, vector<1x1x1xf32>,
    %eq3A = arith.constant 15 : i32
    %eq3A_72 = arith.cmpi eq, %arg0, %eq3A : i32
    %convert_element_type3A = arith.extui %eq3A_72 : i1 to i32
    %cond3A = arith.constant 0 : i32
    %cond3A_73 = arith.cmpi ne, %convert_element_type3A, %cond3A : i32
    scf.if %cond3A_73 {
      %get3A_74 = arith.constant 0 : index
      %get3A_75 = arith.constant 0 : index
      %get3A_76 = arith.constant 0 : index
      %get3A_77 = vector.load %arg6[%get3A_74, %get3A_75, %get3A_76] : memref<16x32x128xf32, #tpu.memory_space<vmem>>, vector<1x32x2xf32>
      %get3A_78 = vector.shape_cast %get3A_77 : vector<1x32x2xf32> to vector<32x2xf32>
      %get3A_79 = arith.constant 1 : index
      %get3A_80 = arith.constant 0 : index
      %get3A_81 = arith.constant 0 : index
      %get3A_82 = vector.load %arg6[%get3A_79, %get3A_80, %get3A_81] : memref<16x32x128xf32, #tpu.memory_space<vmem>>, vector<1x32x2xf32>
      %get3A_83 = vector.shape_cast %get3A_82 : vector<1x32x2xf32> to vector<32x2xf32>
      %get3A_84 = arith.constant 2 : index
      %get3A_85 = arith.constant 0 : index
      %get3A_86 = arith.constant 0 : index
      %get3A_87 = vector.load %arg6[%get3A_84, %get3A_85, %get3A_86] : memref<16x32x128xf32, #tpu.memory_space<vmem>>, vector<1x32x2xf32>
      %get3A_88 = vector.shape_cast %get3A_87 : vector<1x32x2xf32> to vector<32x2xf32>
      %get3A_89 = arith.constant 3 : index
      %get3A_90 = arith.constant 0 : index
      %get3A_91 = arith.constant 0 : index
      %get3A_92 = vector.load %arg6[%get3A_89, %get3A_90, %get3A_91] : memref<16x32x128xf32, #tpu.memory_space<vmem>>, vector<1x32x2xf32>
      %get3A_93 = vector.shape_cast %get3A_92 : vector<1x32x2xf32> to vector<32x2xf32>
      %get3A_94 = arith.constant 4 : index
      %get3A_95 = arith.constant 0 : index
      %get3A_96 = arith.constant 0 : index
      %get3A_97 = vector.load %arg6[%get3A_94, %get3A_95, %get3A_96] : memref<16x32x128xf32, #tpu.memory_space<vmem>>, vector<1x32x2xf32>
      %get3A_98 = vector.shape_cast %get3A_97 : vector<1x32x2xf32> to vector<32x2xf32>
      %get3A_99 = arith.constant 5 : index
      %get3A_100 = arith.constant 0 : index
      %get3A_101 = arith.constant 0 : index
      %get3A_102 = vector.load %arg6[%get3A_99, %get3A_100, %get3A_101] : memref<16x32x128xf32, #tpu.memory_space<vmem>>, vector<1x32x2xf32>
      %get3A_103 = vector.shape_cast %get3A_102 : vector<1x32x2xf32> to vector<32x2xf32>
      %get3A_104 = arith.constant 6 : index
      %get3A_105 = arith.constant 0 : index
      %get3A_106 = arith.constant 0 : index
      %get3A_107 = vector.load %arg6[%get3A_104, %get3A_105, %get3A_106] : memref<16x32x128xf32, #tpu.memory_space<vmem>>, vector<1x32x2xf32>
      %get3A_108 = vector.shape_cast %get3A_107 : vector<1x32x2xf32> to vector<32x2xf32>
      %get3A_109 = arith.constant 7 : index
      %get3A_110 = arith.constant 0 : index
      %get3A_111 = arith.constant 0 : index
      %get3A_112 = vector.load %arg6[%get3A_109, %get3A_110, %get3A_111] : memref<16x32x128xf32, #tpu.memory_space<vmem>>, vector<1x32x2xf32>
      %get3A_113 = vector.shape_cast %get3A_112 : vector<1x32x2xf32> to vector<32x2xf32>
      %get3A_114 = arith.constant 8 : index
      %get3A_115 = arith.constant 0 : index
      %get3A_116 = arith.constant 0 : index
      %get3A_117 = vector.load %arg6[%get3A_114, %get3A_115, %get3A_116] : memref<16x32x128xf32, #tpu.memory_space<vmem>>, vector<1x32x2xf32>
      %get3A_118 = vector.shape_cast %get3A_117 : vector<1x32x2xf32> to vector<32x2xf32>
      %get3A_119 = arith.constant 9 : index
      %get3A_120 = arith.constant 0 : index
      %get3A_121 = arith.constant 0 : index
      %get3A_122 = vector.load %arg6[%get3A_119, %get3A_120, %get3A_121] : memref<16x32x128xf32, #tpu.memory_space<vmem>>, vector<1x32x2xf32>
      %get3A_123 = vector.shape_cast %get3A_122 : vector<1x32x2xf32> to vector<32x2xf32>
      %get3A_124 = arith.constant 10 : index
      %get3A_125 = arith.constant 0 : index
      %get3A_126 = arith.constant 0 : index
      %get3A_127 = vector.load %arg6[%get3A_124, %get3A_125, %get3A_126] : memref<16x32x128xf32, #tpu.memory_space<vmem>>, vector<1x32x2xf32>
      %get3A_128 = vector.shape_cast %get3A_127 : vector<1x32x2xf32> to vector<32x2xf32>
      %get3A_129 = arith.constant 11 : index
      %get3A_130 = arith.constant 0 : index
      %get3A_131 = arith.constant 0 : index
      %get3A_132 = vector.load %arg6[%get3A_129, %get3A_130, %get3A_131] : memref<16x32x128xf32, #tpu.memory_space<vmem>>, vector<1x32x2xf32>
      %get3A_133 = vector.shape_cast %get3A_132 : vector<1x32x2xf32> to vector<32x2xf32>
      %get3A_134 = arith.constant 12 : index
      %get3A_135 = arith.constant 0 : index
      %get3A_136 = arith.constant 0 : index
      %get3A_137 = vector.load %arg6[%get3A_134, %get3A_135, %get3A_136] : memref<16x32x128xf32, #tpu.memory_space<vmem>>, vector<1x32x2xf32>
      %get3A_138 = vector.shape_cast %get3A_137 : vector<1x32x2xf32> to vector<32x2xf32>
      %get3A_139 = arith.constant 13 : index
      %get3A_140 = arith.constant 0 : index
      %get3A_141 = arith.constant 0 : index
      %get3A_142 = vector.load %arg6[%get3A_139, %get3A_140, %get3A_141] : memref<16x32x128xf32, #tpu.memory_space<vmem>>, vector<1x32x2xf32>
      %get3A_143 = vector.shape_cast %get3A_142 : vector<1x32x2xf32> to vector<32x2xf32>
      %get3A_144 = arith.constant 14 : index
      %get3A_145 = arith.constant 0 : index
      %get3A_146 = arith.constant 0 : index
      %get3A_147 = vector.load %arg6[%get3A_144, %get3A_145, %get3A_146] : memref<16x32x128xf32, #tpu.memory_space<vmem>>, vector<1x32x2xf32>
      %get3A_148 = vector.shape_cast %get3A_147 : vector<1x32x2xf32> to vector<32x2xf32>
      %get3A_149 = arith.constant 15 : index
      %get3A_150 = arith.constant 0 : index
      %get3A_151 = arith.constant 0 : index
      %get3A_152 = vector.load %arg6[%get3A_149, %get3A_150, %get3A_151] : memref<16x32x128xf32, #tpu.memory_space<vmem>>, vector<1x32x2xf32>
      %get3A_153 = vector.shape_cast %get3A_152 : vector<1x32x2xf32> to vector<32x2xf32>
      %concatenate3A = tpu.concatenate %get3A_78, %get3A_83, %get3A_88, %get3A_93, %get3A_98, %get3A_103, %get3A_108, %get3A_113, %get3A_118, %get3A_123, %get3A_128, %get3A_133, %get3A_138, %get3A_143, %get3A_148, %get3A_153 in 1 : vector<32x2xf32>, vector<32x2xf32>, vector<32x2xf32>, vector<32x2xf32>, vector<32x2xf32>, vector<32x2xf32>, vector<32x2xf32>, vector<32x2xf32>, vector<32x2xf32>, vector<32x2xf32>, vector<32x2xf32>, vector<32x2xf32>, vector<32x2xf32>, vector<32x2xf32>, vector<32x2xf32>, vector<32x2xf32> -> vector<32x32xf32>
      %get3A_154 = arith.constant 0 : index
      %get3A_155 = arith.constant 0 : index
      %get3A_156 = arith.constant 2 : index
      %get3A_157 = vector.load %arg6[%get3A_154, %get3A_155, %get3A_156] : memref<16x32x128xf32, #tpu.memory_space<vmem>>, vector<1x32x1xf32>
      %get3A_158 = vector.shape_cast %get3A_157 : vector<1x32x1xf32> to vector<32x1xf32>
      %get3A_159 = arith.constant 0 : index
      %get3A_160 = arith.constant 0 : index
      %get3A_161 = arith.constant 2 : index
      %get3A_162 = vector.load %arg6[%get3A_159, %get3A_160, %get3A_161] : memref<16x32x128xf32, #tpu.memory_space<vmem>>, vector<1x32x1xf32>
      %get3A_163 = vector.shape_cast %get3A_162 : vector<1x32x1xf32> to vector<32x1xf32>
      %get3A_164 = arith.constant 1 : index
      %get3A_165 = arith.constant 0 : index
      %get3A_166 = arith.constant 2 : index
      %get3A_167 = vector.load %arg6[%get3A_164, %get3A_165, %get3A_166] : memref<16x32x128xf32, #tpu.memory_space<vmem>>, vector<1x32x1xf32>
      %get3A_168 = vector.shape_cast %get3A_167 : vector<1x32x1xf32> to vector<32x1xf32>
      %get3A_169 = arith.constant 1 : index
      %get3A_170 = arith.constant 0 : index
      %get3A_171 = arith.constant 2 : index
      %get3A_172 = vector.load %arg6[%get3A_169, %get3A_170, %get3A_171] : memref<16x32x128xf32, #tpu.memory_space<vmem>>, vector<1x32x1xf32>
      %get3A_173 = vector.shape_cast %get3A_172 : vector<1x32x1xf32> to vector<32x1xf32>
      %get3A_174 = arith.constant 2 : index
      %get3A_175 = arith.constant 0 : index
      %get3A_176 = arith.constant 2 : index
      %get3A_177 = vector.load %arg6[%get3A_174, %get3A_175, %get3A_176] : memref<16x32x128xf32, #tpu.memory_space<vmem>>, vector<1x32x1xf32>
      %get3A_178 = vector.shape_cast %get3A_177 : vector<1x32x1xf32> to vector<32x1xf32>
      %get3A_179 = arith.constant 2 : index
      %get3A_180 = arith.constant 0 : index
      %get3A_181 = arith.constant 2 : index
      %get3A_182 = vector.load %arg6[%get3A_179, %get3A_180, %get3A_181] : memref<16x32x128xf32, #tpu.memory_space<vmem>>, vector<1x32x1xf32>
      %get3A_183 = vector.shape_cast %get3A_182 : vector<1x32x1xf32> to vector<32x1xf32>
      %get3A_184 = arith.constant 3 : index
      %get3A_185 = arith.constant 0 : index
      %get3A_186 = arith.constant 2 : index
      %get3A_187 = vector.load %arg6[%get3A_184, %get3A_185, %get3A_186] : memref<16x32x128xf32, #tpu.memory_space<vmem>>, vector<1x32x1xf32>
      %get3A_188 = vector.shape_cast %get3A_187 : vector<1x32x1xf32> to vector<32x1xf32>
      %get3A_189 = arith.constant 3 : index
      %get3A_190 = arith.constant 0 : index
      %get3A_191 = arith.constant 2 : index
      %get3A_192 = vector.load %arg6[%get3A_189, %get3A_190, %get3A_191] : memref<16x32x128xf32, #tpu.memory_space<vmem>>, vector<1x32x1xf32>
      %get3A_193 = vector.shape_cast %get3A_192 : vector<1x32x1xf32> to vector<32x1xf32>
      %get3A_194 = arith.constant 4 : index
      %get3A_195 = arith.constant 0 : index
      %get3A_196 = arith.constant 2 : index
      %get3A_197 = vector.load %arg6[%get3A_194, %get3A_195, %get3A_196] : memref<16x32x128xf32, #tpu.memory_space<vmem>>, vector<1x32x1xf32>
      %get3A_198 = vector.shape_cast %get3A_197 : vector<1x32x1xf32> to vector<32x1xf32>
      %get3A_199 = arith.constant 4 : index
      %get3A_200 = arith.constant 0 : index
      %get3A_201 = arith.constant 2 : index
      %get3A_202 = vector.load %arg6[%get3A_199, %get3A_200, %get3A_201] : memref<16x32x128xf32, #tpu.memory_space<vmem>>, vector<1x32x1xf32>
      %get3A_203 = vector.shape_cast %get3A_202 : vector<1x32x1xf32> to vector<32x1xf32>
      %get3A_204 = arith.constant 5 : index
      %get3A_205 = arith.constant 0 : index
      %get3A_206 = arith.constant 2 : index
      %get3A_207 = vector.load %arg6[%get3A_204, %get3A_205, %get3A_206] : memref<16x32x128xf32, #tpu.memory_space<vmem>>, vector<1x32x1xf32>
      %get3A_208 = vector.shape_cast %get3A_207 : vector<1x32x1xf32> to vector<32x1xf32>
      %get3A_209 = arith.constant 5 : index
      %get3A_210 = arith.constant 0 : index
      %get3A_211 = arith.constant 2 : index
      %get3A_212 = vector.load %arg6[%get3A_209, %get3A_210, %get3A_211] : memref<16x32x128xf32, #tpu.memory_space<vmem>>, vector<1x32x1xf32>
      %get3A_213 = vector.shape_cast %get3A_212 : vector<1x32x1xf32> to vector<32x1xf32>
      %get3A_214 = arith.constant 6 : index
      %get3A_215 = arith.constant 0 : index
      %get3A_216 = arith.constant 2 : index
      %get3A_217 = vector.load %arg6[%get3A_214, %get3A_215, %get3A_216] : memref<16x32x128xf32, #tpu.memory_space<vmem>>, vector<1x32x1xf32>
      %get3A_218 = vector.shape_cast %get3A_217 : vector<1x32x1xf32> to vector<32x1xf32>
      %get3A_219 = arith.constant 6 : index
      %get3A_220 = arith.constant 0 : index
      %get3A_221 = arith.constant 2 : index
      %get3A_222 = vector.load %arg6[%get3A_219, %get3A_220, %get3A_221] : memref<16x32x128xf32, #tpu.memory_space<vmem>>, vector<1x32x1xf32>
      %get3A_223 = vector.shape_cast %get3A_222 : vector<1x32x1xf32> to vector<32x1xf32>
      %get3A_224 = arith.constant 7 : index
      %get3A_225 = arith.constant 0 : index
      %get3A_226 = arith.constant 2 : index
      %get3A_227 = vector.load %arg6[%get3A_224, %get3A_225, %get3A_226] : memref<16x32x128xf32, #tpu.memory_space<vmem>>, vector<1x32x1xf32>
      %get3A_228 = vector.shape_cast %get3A_227 : vector<1x32x1xf32> to vector<32x1xf32>
      %get3A_229 = arith.constant 7 : index
      %get3A_230 = arith.constant 0 : index
      %get3A_231 = arith.constant 2 : index
      %get3A_232 = vector.load %arg6[%get3A_229, %get3A_230, %get3A_231] : memref<16x32x128xf32, #tpu.memory_space<vmem>>, vector<1x32x1xf32>
      %get3A_233 = vector.shape_cast %get3A_232 : vector<1x32x1xf32> to vector<32x1xf32>
      %get3A_234 = arith.constant 8 : index
      %get3A_235 = arith.constant 0 : index
      %get3A_236 = arith.constant 2 : index
      %get3A_237 = vector.load %arg6[%get3A_234, %get3A_235, %get3A_236] : memref<16x32x128xf32, #tpu.memory_space<vmem>>, vector<1x32x1xf32>
      %get3A_238 = vector.shape_cast %get3A_237 : vector<1x32x1xf32> to vector<32x1xf32>
      %get3A_239 = arith.constant 8 : index
      %get3A_240 = arith.constant 0 : index
      %get3A_241 = arith.constant 2 : index
      %get3A_242 = vector.load %arg6[%get3A_239, %get3A_240, %get3A_241] : memref<16x32x128xf32, #tpu.memory_space<vmem>>, vector<1x32x1xf32>
      %get3A_243 = vector.shape_cast %get3A_242 : vector<1x32x1xf32> to vector<32x1xf32>
      %get3A_244 = arith.constant 9 : index
      %get3A_245 = arith.constant 0 : index
      %get3A_246 = arith.constant 2 : index
      %get3A_247 = vector.load %arg6[%get3A_244, %get3A_245, %get3A_246] : memref<16x32x128xf32, #tpu.memory_space<vmem>>, vector<1x32x1xf32>
      %get3A_248 = vector.shape_cast %get3A_247 : vector<1x32x1xf32> to vector<32x1xf32>
      %get3A_249 = arith.constant 9 : index
      %get3A_250 = arith.constant 0 : index
      %get3A_251 = arith.constant 2 : index
      %get3A_252 = vector.load %arg6[%get3A_249, %get3A_250, %get3A_251] : memref<16x32x128xf32, #tpu.memory_space<vmem>>, vector<1x32x1xf32>
      %get3A_253 = vector.shape_cast %get3A_252 : vector<1x32x1xf32> to vector<32x1xf32>
      %get3A_254 = arith.constant 10 : index
      %get3A_255 = arith.constant 0 : index
      %get3A_256 = arith.constant 2 : index
      %get3A_257 = vector.load %arg6[%get3A_254, %get3A_255, %get3A_256] : memref<16x32x128xf32, #tpu.memory_space<vmem>>, vector<1x32x1xf32>
      %get3A_258 = vector.shape_cast %get3A_257 : vector<1x32x1xf32> to vector<32x1xf32>
      %get3A_259 = arith.constant 10 : index
      %get3A_260 = arith.constant 0 : index
      %get3A_261 = arith.constant 2 : index
      %get3A_262 = vector.load %arg6[%get3A_259, %get3A_260, %get3A_261] : memref<16x32x128xf32, #tpu.memory_space<vmem>>, vector<1x32x1xf32>
      %get3A_263 = vector.shape_cast %get3A_262 : vector<1x32x1xf32> to vector<32x1xf32>
      %get3A_264 = arith.constant 11 : index
      %get3A_265 = arith.constant 0 : index
      %get3A_266 = arith.constant 2 : index
      %get3A_267 = vector.load %arg6[%get3A_264, %get3A_265, %get3A_266] : memref<16x32x128xf32, #tpu.memory_space<vmem>>, vector<1x32x1xf32>
      %get3A_268 = vector.shape_cast %get3A_267 : vector<1x32x1xf32> to vector<32x1xf32>
      %get3A_269 = arith.constant 11 : index
      %get3A_270 = arith.constant 0 : index
      %get3A_271 = arith.constant 2 : index
      %get3A_272 = vector.load %arg6[%get3A_269, %get3A_270, %get3A_271] : memref<16x32x128xf32, #tpu.memory_space<vmem>>, vector<1x32x1xf32>
      %get3A_273 = vector.shape_cast %get3A_272 : vector<1x32x1xf32> to vector<32x1xf32>
      %get3A_274 = arith.constant 12 : index
      %get3A_275 = arith.constant 0 : index
      %get3A_276 = arith.constant 2 : index
      %get3A_277 = vector.load %arg6[%get3A_274, %get3A_275, %get3A_276] : memref<16x32x128xf32, #tpu.memory_space<vmem>>, vector<1x32x1xf32>
      %get3A_278 = vector.shape_cast %get3A_277 : vector<1x32x1xf32> to vector<32x1xf32>
      %get3A_279 = arith.constant 12 : index
      %get3A_280 = arith.constant 0 : index
      %get3A_281 = arith.constant 2 : index
      %get3A_282 = vector.load %arg6[%get3A_279, %get3A_280, %get3A_281] : memref<16x32x128xf32, #tpu.memory_space<vmem>>, vector<1x32x1xf32>
      %get3A_283 = vector.shape_cast %get3A_282 : vector<1x32x1xf32> to vector<32x1xf32>
      %get3A_284 = arith.constant 13 : index
      %get3A_285 = arith.constant 0 : index
      %get3A_286 = arith.constant 2 : index
      %get3A_287 = vector.load %arg6[%get3A_284, %get3A_285, %get3A_286] : memref<16x32x128xf32, #tpu.memory_space<vmem>>, vector<1x32x1xf32>
      %get3A_288 = vector.shape_cast %get3A_287 : vector<1x32x1xf32> to vector<32x1xf32>
      %get3A_289 = arith.constant 13 : index
      %get3A_290 = arith.constant 0 : index
      %get3A_291 = arith.constant 2 : index
      %get3A_292 = vector.load %arg6[%get3A_289, %get3A_290, %get3A_291] : memref<16x32x128xf32, #tpu.memory_space<vmem>>, vector<1x32x1xf32>
      %get3A_293 = vector.shape_cast %get3A_292 : vector<1x32x1xf32> to vector<32x1xf32>
      %get3A_294 = arith.constant 14 : index
      %get3A_295 = arith.constant 0 : index
      %get3A_296 = arith.constant 2 : index
      %get3A_297 = vector.load %arg6[%get3A_294, %get3A_295, %get3A_296] : memref<16x32x128xf32, #tpu.memory_space<vmem>>, vector<1x32x1xf32>
      %get3A_298 = vector.shape_cast %get3A_297 : vector<1x32x1xf32> to vector<32x1xf32>
      %get3A_299 = arith.constant 14 : index
      %get3A_300 = arith.constant 0 : index
      %get3A_301 = arith.constant 2 : index
      %get3A_302 = vector.load %arg6[%get3A_299, %get3A_300, %get3A_301] : memref<16x32x128xf32, #tpu.memory_space<vmem>>, vector<1x32x1xf32>
      %get3A_303 = vector.shape_cast %get3A_302 : vector<1x32x1xf32> to vector<32x1xf32>
      %get3A_304 = arith.constant 15 : index
      %get3A_305 = arith.constant 0 : index
      %get3A_306 = arith.constant 2 : index
      %get3A_307 = vector.load %arg6[%get3A_304, %get3A_305, %get3A_306] : memref<16x32x128xf32, #tpu.memory_space<vmem>>, vector<1x32x1xf32>
      %get3A_308 = vector.shape_cast %get3A_307 : vector<1x32x1xf32> to vector<32x1xf32>
      %get3A_309 = arith.constant 15 : index
      %get3A_310 = arith.constant 0 : index
      %get3A_311 = arith.constant 2 : index
      %get3A_312 = vector.load %arg6[%get3A_309, %get3A_310, %get3A_311] : memref<16x32x128xf32, #tpu.memory_space<vmem>>, vector<1x32x1xf32>
      %get3A_313 = vector.shape_cast %get3A_312 : vector<1x32x1xf32> to vector<32x1xf32>
      %concatenate3A_314 = tpu.concatenate %get3A_158, %get3A_163, %get3A_168, %get3A_173, %get3A_178, %get3A_183, %get3A_188, %get3A_193, %get3A_198, %get3A_203, %get3A_208, %get3A_213, %get3A_218, %get3A_223, %get3A_228, %get3A_233, %get3A_238, %get3A_243, %get3A_248, %get3A_253, %get3A_258, %get3A_263, %get3A_268, %get3A_273, %get3A_278, %get3A_283, %get3A_288, %get3A_293, %get3A_298, %get3A_303, %get3A_308, %get3A_313 in 1 : vector<32x1xf32>, vector<32x1xf32>, vector<32x1xf32>, vector<32x1xf32>, vector<32x1xf32>, vector<32x1xf32>, vector<32x1xf32>, vector<32x1xf32>, vector<32x1xf32>, vector<32x1xf32>, vector<32x1xf32>, vector<32x1xf32>, vector<32x1xf32>, vector<32x1xf32>, vector<32x1xf32>, vector<32x1xf32>, vector<32x1xf32>, vector<32x1xf32>, vector<32x1xf32>, vector<32x1xf32>, vector<32x1xf32>, vector<32x1xf32>, vector<32x1xf32>, vector<32x1xf32>, vector<32x1xf32>, vector<32x1xf32>, vector<32x1xf32>, vector<32x1xf32>, vector<32x1xf32>, vector<32x1xf32>, vector<32x1xf32>, vector<32x1xf32> -> vector<32x32xf32>
      %get3A_315 = arith.constant 0 : index
      %get3A_316 = arith.constant 0 : index
      %get3A_317 = arith.constant 3 : index
      %get3A_318 = vector.load %arg6[%get3A_315, %get3A_316, %get3A_317] : memref<16x32x128xf32, #tpu.memory_space<vmem>>, vector<1x1x2xf32>
      %get3A_319 = vector.shape_cast %get3A_318 : vector<1x1x2xf32> to vector<1x2xf32>
      %get3A_320 = arith.constant 1 : index
      %get3A_321 = arith.constant 0 : index
      %get3A_322 = arith.constant 3 : index
      %get3A_323 = vector.load %arg6[%get3A_320, %get3A_321, %get3A_322] : memref<16x32x128xf32, #tpu.memory_space<vmem>>, vector<1x1x2xf32>
      %get3A_324 = vector.shape_cast %get3A_323 : vector<1x1x2xf32> to vector<1x2xf32>
      %get3A_325 = arith.constant 2 : index
      %get3A_326 = arith.constant 0 : index
      %get3A_327 = arith.constant 3 : index
      %get3A_328 = vector.load %arg6[%get3A_325, %get3A_326, %get3A_327] : memref<16x32x128xf32, #tpu.memory_space<vmem>>, vector<1x1x2xf32>
      %get3A_329 = vector.shape_cast %get3A_328 : vector<1x1x2xf32> to vector<1x2xf32>
      %get3A_330 = arith.constant 3 : index
      %get3A_331 = arith.constant 0 : index
      %get3A_332 = arith.constant 3 : index
      %get3A_333 = vector.load %arg6[%get3A_330, %get3A_331, %get3A_332] : memref<16x32x128xf32, #tpu.memory_space<vmem>>, vector<1x1x2xf32>
      %get3A_334 = vector.shape_cast %get3A_333 : vector<1x1x2xf32> to vector<1x2xf32>
      %get3A_335 = arith.constant 4 : index
      %get3A_336 = arith.constant 0 : index
      %get3A_337 = arith.constant 3 : index
      %get3A_338 = vector.load %arg6[%get3A_335, %get3A_336, %get3A_337] : memref<16x32x128xf32, #tpu.memory_space<vmem>>, vector<1x1x2xf32>
      %get3A_339 = vector.shape_cast %get3A_338 : vector<1x1x2xf32> to vector<1x2xf32>
      %get3A_340 = arith.constant 5 : index
      %get3A_341 = arith.constant 0 : index
      %get3A_342 = arith.constant 3 : index
      %get3A_343 = vector.load %arg6[%get3A_340, %get3A_341, %get3A_342] : memref<16x32x128xf32, #tpu.memory_space<vmem>>, vector<1x1x2xf32>
      %get3A_344 = vector.shape_cast %get3A_343 : vector<1x1x2xf32> to vector<1x2xf32>
      %get3A_345 = arith.constant 6 : index
      %get3A_346 = arith.constant 0 : index
      %get3A_347 = arith.constant 3 : index
      %get3A_348 = vector.load %arg6[%get3A_345, %get3A_346, %get3A_347] : memref<16x32x128xf32, #tpu.memory_space<vmem>>, vector<1x1x2xf32>
      %get3A_349 = vector.shape_cast %get3A_348 : vector<1x1x2xf32> to vector<1x2xf32>
      %get3A_350 = arith.constant 7 : index
      %get3A_351 = arith.constant 0 : index
      %get3A_352 = arith.constant 3 : index
      %get3A_353 = vector.load %arg6[%get3A_350, %get3A_351, %get3A_352] : memref<16x32x128xf32, #tpu.memory_space<vmem>>, vector<1x1x2xf32>
      %get3A_354 = vector.shape_cast %get3A_353 : vector<1x1x2xf32> to vector<1x2xf32>
      %get3A_355 = arith.constant 8 : index
      %get3A_356 = arith.constant 0 : index
      %get3A_357 = arith.constant 3 : index
      %get3A_358 = vector.load %arg6[%get3A_355, %get3A_356, %get3A_357] : memref<16x32x128xf32, #tpu.memory_space<vmem>>, vector<1x1x2xf32>
      %get3A_359 = vector.shape_cast %get3A_358 : vector<1x1x2xf32> to vector<1x2xf32>
      %get3A_360 = arith.constant 9 : index
      %get3A_361 = arith.constant 0 : index
      %get3A_362 = arith.constant 3 : index
      %get3A_363 = vector.load %arg6[%get3A_360, %get3A_361, %get3A_362] : memref<16x32x128xf32, #tpu.memory_space<vmem>>, vector<1x1x2xf32>
      %get3A_364 = vector.shape_cast %get3A_363 : vector<1x1x2xf32> to vector<1x2xf32>
      %get3A_365 = arith.constant 10 : index
      %get3A_366 = arith.constant 0 : index
      %get3A_367 = arith.constant 3 : index
      %get3A_368 = vector.load %arg6[%get3A_365, %get3A_366, %get3A_367] : memref<16x32x128xf32, #tpu.memory_space<vmem>>, vector<1x1x2xf32>
      %get3A_369 = vector.shape_cast %get3A_368 : vector<1x1x2xf32> to vector<1x2xf32>
      %get3A_370 = arith.constant 11 : index
      %get3A_371 = arith.constant 0 : index
      %get3A_372 = arith.constant 3 : index
      %get3A_373 = vector.load %arg6[%get3A_370, %get3A_371, %get3A_372] : memref<16x32x128xf32, #tpu.memory_space<vmem>>, vector<1x1x2xf32>
      %get3A_374 = vector.shape_cast %get3A_373 : vector<1x1x2xf32> to vector<1x2xf32>
      %get3A_375 = arith.constant 12 : index
      %get3A_376 = arith.constant 0 : index
      %get3A_377 = arith.constant 3 : index
      %get3A_378 = vector.load %arg6[%get3A_375, %get3A_376, %get3A_377] : memref<16x32x128xf32, #tpu.memory_space<vmem>>, vector<1x1x2xf32>
      %get3A_379 = vector.shape_cast %get3A_378 : vector<1x1x2xf32> to vector<1x2xf32>
      %get3A_380 = arith.constant 13 : index
      %get3A_381 = arith.constant 0 : index
      %get3A_382 = arith.constant 3 : index
      %get3A_383 = vector.load %arg6[%get3A_380, %get3A_381, %get3A_382] : memref<16x32x128xf32, #tpu.memory_space<vmem>>, vector<1x1x2xf32>
      %get3A_384 = vector.shape_cast %get3A_383 : vector<1x1x2xf32> to vector<1x2xf32>
      %get3A_385 = arith.constant 14 : index
      %get3A_386 = arith.constant 0 : index
      %get3A_387 = arith.constant 3 : index
      %get3A_388 = vector.load %arg6[%get3A_385, %get3A_386, %get3A_387] : memref<16x32x128xf32, #tpu.memory_space<vmem>>, vector<1x1x2xf32>
      %get3A_389 = vector.shape_cast %get3A_388 : vector<1x1x2xf32> to vector<1x2xf32>
      %get3A_390 = arith.constant 15 : index
      %get3A_391 = arith.constant 0 : index
      %get3A_392 = arith.constant 3 : index
      %get3A_393 = vector.load %arg6[%get3A_390, %get3A_391, %get3A_392] : memref<16x32x128xf32, #tpu.memory_space<vmem>>, vector<1x1x2xf32>
      %get3A_394 = vector.shape_cast %get3A_393 : vector<1x1x2xf32> to vector<1x2xf32>
      %concatenate3A_395 = tpu.concatenate %get3A_319, %get3A_324, %get3A_329, %get3A_334, %get3A_339, %get3A_344, %get3A_349, %get3A_354, %get3A_359, %get3A_364, %get3A_369, %get3A_374, %get3A_379, %get3A_384, %get3A_389, %get3A_394 in 1 : vector<1x2xf32>, vector<1x2xf32>, vector<1x2xf32>, vector<1x2xf32>, vector<1x2xf32>, vector<1x2xf32>, vector<1x2xf32>, vector<1x2xf32>, vector<1x2xf32>, vector<1x2xf32>, vector<1x2xf32>, vector<1x2xf32>, vector<1x2xf32>, vector<1x2xf32>, vector<1x2xf32>, vector<1x2xf32> -> vector<1x32xf32>
      %max3A = arith.constant 1.000000e+00 : f32
      %max3A_396 = vector.broadcast %max3A : f32 to vector<1x32xf32>
      %max3A_397 = arith.maximumf %concatenate3A_395, %max3A_396 : vector<1x32xf32>
      %div3A = vector.broadcast %max3A_397 : vector<1x32xf32> to vector<32x32xf32>
      %div3A_398 = arith.divf %concatenate3A, %div3A : vector<32x32xf32>
      %mul3A_399 = arith.mulf %div3A_398, %div3A_398 : vector<32x32xf32>
      %reduce_sum3A_400 = arith.constant dense<0.000000e+00> : vector<32xf32>
      %reduce_sum3A_401 = vector.multi_reduction <add>, %mul3A_399, %reduce_sum3A_400 [0] : vector<32x32xf32> to vector<32xf32>
      %broadcast_in_dim3A_402 = vector.shape_cast %reduce_sum3A_401 : vector<32xf32> to vector<1x32xf32>
      %sqrt3A = math.sqrt %broadcast_in_dim3A_402 : vector<1x32xf32>
      %max3A_403 = arith.constant 9.99999996E-13 : f32
      %max3A_404 = vector.broadcast %max3A_403 : f32 to vector<1x32xf32>
      %max3A_405 = arith.maximumf %sqrt3A, %max3A_404 : vector<1x32xf32>
      %div3A_406 = vector.broadcast %max3A_405 : vector<1x32xf32> to vector<32x32xf32>
      %div3A_407 = arith.divf %div3A_398, %div3A_406 : vector<32x32xf32>
      %sub3A = arith.subf %concatenate3A_314, %concatenate3A : vector<32x32xf32>
      %sub3A_408 = arith.constant 5.017600e+04 : f32
      %sub3A_409 = vector.broadcast %sub3A_408 : f32 to vector<1x32xf32>
      %sub3A_410 = arith.subf %sub3A_409, %concatenate3A_395 : vector<1x32xf32>
      %max3A_411 = arith.constant 1.000000e+00 : f32
      %max3A_412 = vector.broadcast %max3A_411 : f32 to vector<1x32xf32>
      %max3A_413 = arith.maximumf %sub3A_410, %max3A_412 : vector<1x32xf32>
      %div3A_414 = vector.broadcast %max3A_413 : vector<1x32xf32> to vector<32x32xf32>
      %div3A_415 = arith.divf %sub3A, %div3A_414 : vector<32x32xf32>
      %mul3A_416 = arith.mulf %div3A_415, %div3A_415 : vector<32x32xf32>
      %reduce_sum3A_417 = arith.constant dense<0.000000e+00> : vector<32xf32>
      %reduce_sum3A_418 = vector.multi_reduction <add>, %mul3A_416, %reduce_sum3A_417 [0] : vector<32x32xf32> to vector<32xf32>
      %broadcast_in_dim3A_419 = vector.shape_cast %reduce_sum3A_418 : vector<32xf32> to vector<1x32xf32>
      %sqrt3A_420 = math.sqrt %broadcast_in_dim3A_419 : vector<1x32xf32>
      %max3A_421 = arith.constant 9.99999996E-13 : f32
      %max3A_422 = vector.broadcast %max3A_421 : f32 to vector<1x32xf32>
      %max3A_423 = arith.maximumf %sqrt3A_420, %max3A_422 : vector<1x32xf32>
      %div3A_424 = vector.broadcast %max3A_423 : vector<1x32xf32> to vector<32x32xf32>
      %div3A_425 = arith.divf %div3A_415, %div3A_424 : vector<32x32xf32>
      %dot_general3A = arith.constant dense<0.000000e+00> : vector<32x32xf32>
      %dot_general3A_426 = tpu.matmul %div3A_407, %div3A_407, %dot_general3A {dimension_numbers = #tpu.dot_dimension_numbers<[0], [0], [1], [1], [0, 1, 1, 1], [], []>, transpose_lhs_hint = false} : vector<32x32xf32>, vector<32x32xf32>, vector<32x32xf32> -> vector<32x32xf32>
      %div3A_427 = arith.constant 7.000000e-02 : f32
      %div3A_428 = vector.broadcast %div3A_427 : f32 to vector<32x32xf32>
      %div3A_429 = arith.divf %dot_general3A_426, %div3A_428 : vector<32x32xf32>
      %dot_general3A_430 = arith.constant dense<0.000000e+00> : vector<32x32xf32>
      %dot_general3A_431 = tpu.matmul %div3A_407, %div3A_425, %dot_general3A_430 {dimension_numbers = #tpu.dot_dimension_numbers<[0], [0], [1], [1], [0, 1, 1, 1], [], []>, transpose_lhs_hint = false} : vector<32x32xf32>, vector<32x32xf32>, vector<32x32xf32> -> vector<32x32xf32>
      %div3A_432 = arith.constant 7.000000e-02 : f32
      %div3A_433 = vector.broadcast %div3A_432 : f32 to vector<32x32xf32>
      %div3A_434 = arith.divf %dot_general3A_431, %div3A_433 : vector<32x32xf32>
      %get3A_435 = arith.constant 0 : index
      %get3A_436 = arith.constant 0 : index
      %get3A_437 = vector.load %arg3[%get3A_435, %get3A_436] : memref<32x32xf32, #tpu.memory_space<vmem>>, vector<32x32xf32>
      %get3A_438 = arith.constant 0 : index
      %get3A_439 = arith.constant 0 : index
      %get3A_440 = vector.load %arg4[%get3A_438, %get3A_439] : memref<32x1xf32, #tpu.memory_space<vmem>>, vector<32x1xf32>
      %lt3A = arith.constant -5.000000e-01 : f32
      %lt3A_441 = vector.broadcast %lt3A : f32 to vector<32x32xf32>
      %lt3A_442 = arith.cmpf olt, %get3A_437, %lt3A_441 : vector<32x32xf32>
      %jit3A = arith.constant 1.000000e+00 : f32
      %jit3A_443 = arith.constant 0.000000e+00 : f32
      %broadcast_in_dim3A_444 = vector.broadcast %jit3A : f32 to vector<32x32xf32>
      %broadcast_in_dim3A_445 = vector.broadcast %jit3A_443 : f32 to vector<32x32xf32>
      %select_n3A = arith.select %lt3A_442, %broadcast_in_dim3A_444, %broadcast_in_dim3A_445 : vector<32x32xi1>, vector<32x32xf32>
      %abs3A = math.absf %get3A_437 : vector<32x32xf32>
      %gt3A = arith.constant 5.000000e-01 : f32
      %gt3A_446 = vector.broadcast %gt3A : f32 to vector<32x32xf32>
      %gt3A_447 = arith.cmpf ogt, %select_n3A, %gt3A_446 : vector<32x32xf32>
      %select_n3A_448 = arith.select %gt3A_447, %div3A_434, %div3A_429 : vector<32x32xi1>, vector<32x32xf32>
      %gt3A_449 = arith.constant 5.000000e-01 : f32
      %gt3A_450 = vector.broadcast %gt3A_449 : f32 to vector<32x32xf32>
      %gt3A_451 = arith.cmpf ogt, %abs3A, %gt3A_450 : vector<32x32xf32>
      %jit3A_452 = arith.constant -1.000000e+30 : f32
      %broadcast_in_dim3A_453 = vector.broadcast %jit3A_452 : f32 to vector<32x32xf32>
      %select_n3A_454 = arith.select %gt3A_451, %select_n3A_448, %broadcast_in_dim3A_453 : vector<32x32xi1>, vector<32x32xf32>
      %reduce_max3A = arith.constant dense<0xFF800000> : vector<32xf32>
      %reduce_max3A_455 = vector.multi_reduction <maximumf>, %select_n3A_454, %reduce_max3A [1] : vector<32x32xf32> to vector<32xf32>
      %broadcast_in_dim3A_456 = vector.shape_cast %reduce_max3A_455 : vector<32xf32> to vector<32x1xf32>
      %sub3A_457 = vector.broadcast %broadcast_in_dim3A_456 : vector<32x1xf32> to vector<32x32xf32>
      %sub3A_458 = arith.subf %select_n3A_448, %sub3A_457 : vector<32x32xf32>
      %exp3A = math.exp %sub3A_458 : vector<32x32xf32>
      %mul3A_459 = arith.mulf %abs3A, %exp3A : vector<32x32xf32>
      %reduce_sum3A_460 = arith.constant dense<0.000000e+00> : vector<32xf32>
      %reduce_sum3A_461 = vector.multi_reduction <add>, %mul3A_459, %reduce_sum3A_460 [1] : vector<32x32xf32> to vector<32xf32>
      %broadcast_in_dim3A_462 = vector.shape_cast %reduce_sum3A_461 : vector<32xf32> to vector<32x1xf32>
      %iota3A = tpu.iota {dimensions = array<i32: 1>} : vector<32x32xi32>
      %convert_element_type3A_463 = arith.fptosi %get3A_440 : vector<32x1xf32> to vector<32x1xi32>
      %eq3A_464 = vector.broadcast %convert_element_type3A_463 : vector<32x1xi32> to vector<32x32xi32>
      %eq3A_465 = arith.cmpi eq, %iota3A, %eq3A_464 : vector<32x32xi32>
      %jit3A_466 = arith.constant 1.000000e+00 : f32
      %jit3A_467 = arith.constant 0.000000e+00 : f32
      %broadcast_in_dim3A_468 = vector.broadcast %jit3A_466 : f32 to vector<32x32xf32>
      %broadcast_in_dim3A_469 = vector.broadcast %jit3A_467 : f32 to vector<32x32xf32>
      %select_n3A_470 = arith.select %eq3A_465, %broadcast_in_dim3A_468, %broadcast_in_dim3A_469 : vector<32x32xi1>, vector<32x32xf32>
      %mul3A_471 = arith.mulf %div3A_429, %select_n3A_470 : vector<32x32xf32>
      %reduce_sum3A_472 = arith.constant dense<0.000000e+00> : vector<32xf32>
      %reduce_sum3A_473 = vector.multi_reduction <add>, %mul3A_471, %reduce_sum3A_472 [1] : vector<32x32xf32> to vector<32xf32>
      %broadcast_in_dim3A_474 = vector.shape_cast %reduce_sum3A_473 : vector<32xf32> to vector<32x1xf32>
      %log3A = math.log %broadcast_in_dim3A_462 : vector<32x1xf32>
      %sub3A_475 = arith.subf %broadcast_in_dim3A_474, %broadcast_in_dim3A_456 : vector<32x1xf32>
      %sub3A_476 = arith.subf %log3A, %sub3A_475 : vector<32x1xf32>
      %reduce_sum3A_477 = arith.constant dense<0.000000e+00> : vector<1xf32>
      %reduce_sum3A_478 = vector.multi_reduction <add>, %sub3A_476, %reduce_sum3A_477 [0] : vector<32x1xf32> to vector<1xf32>
      %broadcast_in_dim3A_479 = vector.shape_cast %reduce_sum3A_478 : vector<1xf32> to vector<1x1xf32>
      %div3A_480 = arith.constant 3.200000e+01 : f32
      %div3A_481 = vector.broadcast %div3A_480 : f32 to vector<1x1xf32>
      %div3A_482 = arith.divf %broadcast_in_dim3A_479, %div3A_481 : vector<1x1xf32>
      %swap3A_483 = arith.constant 0 : index
      %swap3A_484 = arith.constant 0 : index
      %swap3A_485 = vector.load %arg5[%swap3A_483, %swap3A_484] : memref<1x1xf32, #tpu.memory_space<vmem>>, vector<1x1xf32>
      tpu.vector_store %arg5[%swap3A_483, %swap3A_484], %div3A_482 {strides = array<i32>} : memref<1x1xf32, #tpu.memory_space<vmem>>, vector<1x1xf32>,
    } else {
    }
    return
  }
  func.func @transform_0(%arg0: i32) -> (i32, i32, i32, i32) {
    %c0_i32 = arith.constant 0 : i32
    %c0_i32_0 = arith.constant 0 : i32
    %c0_i32_1 = arith.constant 0 : i32
    %c0_i32_2 = arith.constant 0 : i32
    return %arg0, %c0_i32, %c0_i32_0, %c0_i32_1 : i32, i32, i32, i32
  }
  func.func @transform_1(%arg0: i32) -> (i32, i32, i32, i32) {
    %c0_i32 = arith.constant 0 : i32
    %c0_i32_0 = arith.constant 0 : i32
    %c0_i32_1 = arith.constant 0 : i32
    %c0_i32_2 = arith.constant 0 : i32
    return %arg0, %c0_i32, %c0_i32_0, %c0_i32_1 : i32, i32, i32, i32
  }
  func.func @transform_2(%arg0: i32) -> (i32, i32) {
    %c0_i32 = arith.constant 0 : i32
    %c0_i32_0 = arith.constant 0 : i32
    %c0_i32_1 = arith.constant 0 : i32
    return %c0_i32, %c0_i32_0 : i32, i32
  }
  func.func @transform_3(%arg0: i32) -> (i32, i32) {
    %c0_i32 = arith.constant 0 : i32
    %c0_i32_0 = arith.constant 0 : i32
    %c0_i32_1 = arith.constant 0 : i32
    return %c0_i32, %c0_i32_0 : i32, i32
  }
  func.func @transform_4(%arg0: i32) -> (i32, i32) {
    %c0_i32 = arith.constant 0 : i32
    %c0_i32_0 = arith.constant 0 : i32
    %c0_i32_1 = arith.constant 0 : i32
    return %c0_i32, %c0_i32_0 : i32, i32
  }
}

</mosaic_0001>

<sc_bundles>
// kernel: kernel.4.cloned.1.call-start
scs
__scs_entry_jumppad:
0x0: {  	(pc) =	sbr.rel $0x88, $3  }
0x1: {  	(tag) =	ssettag $0x0;
	lr =	simm.s32 $0x1  }
0x2: {  	[smem:$0x3F9E] =	sst lr;
	_ =	strace $0xD0000000  }
0x3: {  	_ = 	snop  }
0x4: {  	_ = 	snop  }
0x5: {  	_ = 	snop  }
0x6: {  	_ = 	snop  }
0x7: {  	_ = 	snop  }
__scs_overlays_trampoline_lowered:
0x8: {  	[smem:$0x3FAD] =	sst s0  }
0x9: {  	[smem:$0x3FAE] =	sst s1  }
0xa: {  	[smem:$0x3FAF] =	sst s2  }
0xb: {  	[smem:$0x3FB0] =	sst s3  }
0xc: {  	[smem:$0x3FB1] =	sst s4  }
0xd: {  	[smem:$0x3FB2] =	sst s5  }
0xe: {  	[smem:$0x3FB3] =	sst s6  }
0xf: {  	[smem:$0x3FB4] =	sst s7  }
0x10: {  	[smem:$0x3FB5] =	sst s8  }
0x11: {  	[smem:$0x3FB6] =	sst s9;
	s0 =	simm.s32 @!p0 $0x0  }
0x12: {  	s1 =	sld [smem:$0x3F9C];
	s0 =	simm.s32 @p0 $0x1  }
0x13: {  	[smem:$0x3FB7] =	sst s0;
	s0 =	simm.s32 @!p1 $0x0  }
0x14: {  	s2 =	sld [smem:$0x3F9B];
	s0 =	simm.s32 @p1 $0x1  }
0x15: {  	[smem:$0x3FB8] =	sst s0;
	s0 =	simm.s32 @!p2 $0x0  }
0x16: {  	s3 =	sld [smem:$0x3FDB];
	s0 =	simm.s32 @p2 $0x1  }
0x17: {  	s4 =	simm.s32 $0x1BF5;
	[smem:$0x3FBA] =	sst s0  }
0x18: {  	s0 =	sld [smem:$0x3F9D];
	_ =	swait.ge [sflag:s4], $0x0  }
0x19: {  	s7 =	sld [smem:$0x3F9E]  }
0x1a: {  	s8 =	sadd.s32 $0xFFFFE003, lr  }
0x1b: {  	s9 =	sadd.s32 $0xFFFFFEF7, lr;
	s5 =	simm.s32 $0xFFFFFFFF;
	p2 =	slt.u32 s8, $0xFFFFF086  }
0x1c: {  	p1 =	slt.u32 s9, $0xF7A;
	s5 =	simm.s32 @!p2 $0x0  }
0x1d: {  	s5 =	simm.s32 @p1 $0x1;
	p0 =	seq.s32 s7, s2  }
0x1e: {  	s7 =	smul.u32 @!p0 $0xF7A, s2;
	p2 =	seq.s32 @!p0 s5, $0x0  }
0x1f: {  	s9 =	smul.u32 $0xF7A, s1;
	s8 =	simm.s32 @!p0 $0x1BF5;
	p2 =	por !p2, p0  }
0x20: {  	[sflag:s8] =	ssyncset.s32 @!p0 $0xFFFFF086;
	s6 =	sadd.s32 @!p0 s3, s7;
	s7 =	simm.s32 @!p0 $0x108  }
0x21: {  	s3 =	sadd.s32 s3, s9;
	s6 =	sadd.s32 @!p0 $0x88, s6;
	s7 =	simm.s32 @p2 $0x1082  }
0x22: {  	[simem:s7], [sflag:s8] =	dma.local @!p0 [hbm:s6], $0xF7A  }
0x23: {  	s9 =	sor.u32 $0xD0000000, s2;
	s6 =	simm.s32 $0x108;
	_ =	swait.ge @!p0 [sflag:s8], $0x0  }
0x24: {  	s3 =	sadd.s32 $0x88, s3;
	s6 =	simm.s32 @!p1 $0x1082;
	[sflag:s4] =	ssyncset.s32 $0xFFFFF086  }
0x25: {  	[simem:s6], [sflag:s4] =	dma.local [hbm:s3], $0xF7A  }
0x26: {  	[smem:$0x3F9E] =	sst s1;
	(tag) =	ssettag s2;
	_ =	strace s9  }
0x27: {  	s1 =	sld [smem:$0x3FAE]  }
0x28: {  	s2 =	sld [smem:$0x3FAF]  }
0x29: {  	s4 =	sld [smem:$0x3FB1]  }
0x2a: {  	p0 =	seq.s32 s5, $0x0;
	s5 =	sld [smem:$0x3FB2]  }
0x2b: {  	s6 =	sld [smem:$0x3FB3]  }
0x2c: {  	s7 =	sld [smem:$0x3FB4]  }
0x2d: {  	s3 =	simm.s32 $0x108;
	s8 =	sld [smem:$0x3FB5]  }
0x2e: {  	s3 =	simm.s32 @!p0 $0x1082;
	s9 =	sld [smem:$0x3FB6]  }
0x2f: {  	lr =	sadd.s32 s0, s3;
	s0 =	sld [smem:$0x3FAD]  }
0x30: {  	s3 =	sld [smem:$0x3FB0]  }
0x31: {  	[smem:$0x3FB9] =	sst s10  }
0x32: {  	s10 =	sld [smem:$0x3FB7];
	_ =	sdelay $0x3  }
0x33: {  	p0 =	seq.s32 s10, $0x1;
	s10 =	sld [smem:$0x3FB9];
	_ =	sdelay $0x3  }
0x34: {  	[smem:$0x3FB9] =	sst s10  }
0x35: {  	s10 =	sld [smem:$0x3FB8];
	_ =	sdelay $0x3  }
0x36: {  	p1 =	seq.s32 s10, $0x1;
	s10 =	sld [smem:$0x3FB9];
	_ =	sdelay $0x3  }
0x37: {  	[smem:$0x3FB9] =	sst s10  }
0x38: {  	s10 =	sld [smem:$0x3FBA]  }
0x39: {  	_ = 	snop;
	(pc) =	sbr.ind lr, $3  }
0x3a: {  	_ = 	snop  }
0x3b: {  	_ = 	snop  }
0x3c: {  	p2 =	seq.s32 s10, $0x1;
	s10 =	sld [smem:$0x3FB9]  }
0x3d: {  	_ =	shalt  }
0x3e: {  	_ =	shalt  }
0x3f: {  	_ =	shalt  }
0x40: {  	_ =	shalt  }
0x41: {  	_ =	shalt  }
0x42: {  	_ =	shalt  }
0x43: {  	_ =	shalt  }
0x44: {  	_ =	shalt  }
0x45: {  	_ =	shalt  }
0x46: {  	_ =	shalt  }
0x47: {  	_ =	shalt  }
0x48: {  	_ =	shalt  }
0x49: {  	_ =	shalt  }
0x4a: {  	_ =	shalt  }
0x4b: {  	_ =	shalt  }
0x4c: {  	_ =	shalt  }
0x4d: {  	_ =	shalt  }
0x4e: {  	_ =	shalt  }
0x4f: {  	_ =	shalt  }
0x50: {  	_ =	shalt  }
0x51: {  	_ =	shalt  }
0x52: {  	_ =	shalt  }
0x53: {  	_ =	shalt  }
0x54: {  	_ =	shalt  }
0x55: {  	_ =	shalt  }
0x56: {  	_ =	shalt  }
0x57: {  	_ =	shalt  }
0x58: {  	_ =	shalt  }
0x59: {  	_ =	shalt  }
0x5a: {  	_ =	shalt  }
0x5b: {  	_ =	shalt  }
0x5c: {  	_ =	shalt  }
0x5d: {  	_ =	shalt  }
0x5e: {  	_ =	shalt  }
0x5f: {  	_ =	shalt  }
0x60: {  	_ =	shalt  }
0x61: {  	_ =	shalt  }
0x62: {  	_ =	shalt  }
0x63: {  	_ =	shalt  }
0x64: {  	_ =	shalt  }
0x65: {  	_ =	shalt  }
0x66: {  	_ =	shalt  }
0x67: {  	_ =	shalt  }
0x68: {  	_ =	shalt  }
0x69: {  	_ =	shalt  }
0x6a: {  	_ =	shalt  }
0x6b: {  	_ =	shalt  }
0x6c: {  	_ =	shalt  }
0x6d: {  	_ =	shalt  }
0x6e: {  	_ =	shalt  }
0x6f: {  	_ =	shalt  }
0x70: {  	_ =	shalt  }
0x71: {  	_ =	shalt  }
0x72: {  	_ =	shalt  }
0x73: {  	_ =	shalt  }
0x74: {  	_ =	shalt  }
0x75: {  	_ =	shalt  }
0x76: {  	_ =	shalt  }
0x77: {  	_ =	shalt  }
0x78: {  	_ =	shalt  }
0x79: {  	_ =	shalt  }
0x7a: {  	_ =	shalt  }
0x7b: {  	_ =	shalt  }
0x7c: {  	_ =	shalt  }
0x7d: {  	_ =	shalt  }
0x7e: {  	_ =	shalt  }
0x7f: {  	_ =	shalt  }
0x80: {  	_ =	shalt  }
0x81: {  	_ =	shalt  }
0x82: {  	_ =	shalt  }
0x83: {  	_ =	shalt  }
0x84: {  	_ =	shalt  }
0x85: {  	_ =	shalt  }
0x86: {  	_ =	shalt  }
0x87: {  	_ =	shalt  }
.Lfunc_end0:
.L_simem_size_0:
called_computation_lowered:
.L_overlay_start_0:
0x88: {  	s2 =	sld [smem:$0x3FD9]  }
0x89: {  	s3 =	sld [smem:$0x3FFE];
	_ =	sdelay $0x1  }
0x8a: {  	s1 =	srdreg.scid  }
0x8b: {  	s0 =	sand.u32 $0x1, s1  }
0x8c: {  	s17 =	sshll.u32 s0, $0xA;
	s2 =	sadd.s32 s3, s2  }
0x8d: {  	s2 =	sadd.s32 s2, s17  }
0x8e: {  	[smem:$0x3FC5] =	sst s2  }
0x8f: {  	_ = 	snop  }
0x90: {  	s2 =	sld [smem:$0x3FD0];
	(tm) =	ssettm $0x1  }
0x91: {  	s18 =	sld [smem:$0x3FFB];
	_ =	sdelay $0x3  }
0x92: {  	_ =	strace s18  }
0x93: {  	s3 =	sld [smem:$0x3FFC];
	_ =	sdelay $0x3  }
0x94: {  	_ =	strace s3  }
0x95: {  	s3 =	sld [smem:$0x3FFD];
	_ =	sdelay $0x3  }
0x96: {  	_ =	strace s3  }
0x97: {  	_ =	strace $0x8FFFFFFF  }
0x98: {  	s19 =	sld [smem:$0x3FDB];
	_ =	sdelay $0x1  }
0x99: {  	s4 =	simm.s32 $_scs_section_size  }
0x9a: {  	s5 =	simm.s32 $_size__tile_overlayer_lowered;
	s6 =	simm.s32 $_tile_overlayer_lowered  }
0x9b: {  	s22 =	simm.s32 $0x1BFF;
	s21 =	sshll.u32 s6, $0x1;
	s3 =	sadd.s32 s4, s19  }
0x9c: {  	s7 =	simm.s32 $0x0;
	s20 =	sshll.u32 s5, $0x1;
	s5 =	sadd.s32 s21, s3  }
0x9d: {  	[timem:s7], [sflag:s22] =	dma.local [hbm:s5], s20  }
0x9e: {  	_ =	swait.ge [sflag:s22], s20  }
0x9f: {  	s4 =	ssub.s32 $0x0, s20;
	[sflag:s22] =	ssyncset.done $0x0  }
0xa0: {  	[sflag:s22] =	ssyncadd.s32 s4;
	_ =	sdelay $0x1  }
0xa1: {  	s23 =	simm.s32 $0x1B8B  }
0xa2: {  	_ =	swait.ge [sflag:s23], $0x1  }
0xa3: {  	[sflag:s23] =	ssyncset.done $0x0  }
0xa4: {  	s25 =	simm.s32 $0x1B8E;
	s24 =	sld [smem:$0x3FFE];
	[sflag:s23] =	ssyncadd.s32 $0xFFFFFFFF  }
0xa5: {  	s26 =	simm.s32 $execute0_lowered;
	[smem:$0x3FD2] =	sst s25  }
0xa6: {  	s5 =	sshll.u32 s26, $0x1;
	_ =	strace $0x80000046;
	[dreg:$0x1] =	wrdreg $0xFFFFFFFF  }
0xa7: {  	s28 =	simm.s32 $_size_execute0_lowered;
	s3 =	sadd.s32 s3, s5;
	[dreg:$0x0] =	wrdreg $0x0  }
0xa8: {  	s5 =	sshll.u32 s28, $0x1;
	[dreg:$0x2] =	wrdreg s3  }
0xa9: {  	[dreg:$0x3] =	wrdreg s5  }
0xaa: {  	[dreg:$0x4] =	wrdreg $0xC0  }
0xab: {  	_ =	task [dreg:s7], $0x5FFFF  }
0xac: {  	[dreg:$0x1] =	wrdreg $0xFFFFFFFF  }
0xad: {  	[dreg:$0x0] =	wrdreg $0x60  }
0xae: {  	[dreg:$0x2] =	wrdreg s2  }
0xaf: {  	[dreg:$0x3] =	wrdreg s24  }
0xb0: {  	[dreg:$0x4] =	wrdreg $0x9  }
0xb1: {  	_ =	task.clear_ibuf [dreg:s7], $0x5FFFF;
	_ =	strace $0x90000046  }
0xb2: {  	s29 =	simm.s32 $0x9;
	_ =	strace $0x80000048  }
0xb3: {  	_ =	swait.ge [sflag:s29], $0x1  }
0xb4: {  	[sflag:s29] =	ssyncadd.s32 $0xFFFFFFFF  }
0xb5: {  	_ =	strace $0x90000048  }
0xb6: {  	_ =	sfence  }
0xb7: {  	s30 =	sld [smem:$0x0];
	_ =	sdelay $0x2  }
0xb8: {  	s31 =	sshll.u32 s1, $0xD;
	s1 =	sshrl.u32 s1, $0x2  }
0xb9: {  	s3 =	sand.u32 $0x4000, s31;
	s1 =	sadd.s32 s1, s30  }
0xba: {  	s0 =	sor.u32 s3, s0;
	s1 =	sshll.u32 s1, $0x11  }
0xbb: {  	s0 =	sor.u32 s1, s0  }
0xbc: {  	s0 =	sadd.s32 $0x8F2B, s0  }
0xbd: {  	[sflag:s0] =	ssyncadd.remote.s32 $0x1  }
0xbe: {  	_ =	sfence.sel $0xFFFF  }
0xbf: {  	[dreg:$0x0] =	wrdreg $0xFFFFFFFF;
	(pc) =	sbr.abs _section_cstart, $3  }
0xc0: {  	[dreg:$0x1] =	wrdreg $0xFFFFFFFF  }
0xc1: {  	_ =	task.clear_ibuf [dreg:s7], $0x2FFFF;
	_ =	strace $0x9FFFFFFF  }
0xc2: {  	(tm) =	ssettm $0x7FFFFFFF  }
0xc3: {  	_ =	shalt  }
tec
execute0_lowered:
.L_overlay_start_1:
0x0: {  	(tag) =	ssettag $0x1  }
0x1: {  	s1 =	srdreg.scid;
	s0 =	stileid.u32  }
0x2: {  	s2 =	rddreg [dreg:$0x0];
	s8 =	sand.u32 $0x1, s1;
	s23 =	sshll.u32 s0, $0x1  }
0x3: {  	s4 =	rddreg [dreg:$0x1];
	s9 =	sor.u32 s8, s23  }
0x4: {  	s3 =	simm.s32 $0x0;
	s1 =	rddreg [dreg:$0x2];
	s5 =	sshll.u32 s9, $0x4  }
0x5: {  	[smem:$0x7FF] =	sst s3;
	s7 =	sadd.s32 s5, s4  }
0x6: {  	_ =	strace $0x80000047;
	s4 =	simm.s32 $0x1;
	s5 =	sadd.s32 $0x800, s7  }
0x7: {  	[tilespmem:s3], [sflag:$0x1] =	stream.linear.gather [hbm4b:s5+s3], $0x80, $0x38;
	[tilespmem:$0x180] =	vst v63  }
0x8: {  	_ =	swait.ge [sflag:s4], $0x80  }
0x9: {  	[sflag:s4] =	ssyncset.done $0x0  }
0xa: {  	s6 =	simm.s32 $0x80;
	[sflag:s4] =	ssyncadd.s32 $0xFFFFFF80  }
0xb: {  	[tilespmem:s6], [sflag:$0x1] =	stream.linear.gather [hbm4b:s2+s3], $0x80, $0x38;
	[tilespmem:$0x180] =	vst v63  }
0xc: {  	_ =	swait.ge [sflag:s4], $0x80  }
0xd: {  	[sflag:s4] =	ssyncset.done $0x0  }
0xe: {  	[sflag:s4] =	ssyncadd.s32 $0xFFFFFF80  }
0xf: {  	v4 =	vld [tilespmem:$0x80]  }
0x10: {  	v5 =	vld [tilespmem:$0x90];
	_ =	sdelay $0x1  }
0x11: {  	v0 =	vlaneseq.u32;
	v2 =	vmov s9  }
0x12: {  	v1 =	vor.u32 $0x10, v0;
	vm0 =	veq.s32 v2, v0  }
0x13: {  	vm1 =	veq.s32 v2, v1;
	v2 =	vnsel vm0, $0x0, v4  }
0x14: {  	v3 =	vnsel vm1, $0x0, v5;
	(xrf0) =	vadd.scan.msk.s32 $0xffff, v2  }
0x15: {  	(xrf0) =	vadd.scan.msk.s32 $0xffff, v3;
	_ =	sdelay $0x4  }
0x16: {  	v2, _, _ =	vpop (xrf0)  }
0x17: {  	(v2sf) =	vpush v2, $0xF;
	v2, _, _ =	vpop (xrf0)  }
0x18: {  	(v2sf) =	vpush v2, $0xF;
	_ =	sdelay $0xd  }
0x19: {  	s24 =	spop (v2sf)  }
0x1a: {  	s10 =	spop (v2sf)  }
0x1b: {  	s9 =	sadd.s32 s24, s10  }
0x1c: {  	v2 =	vimm.s32 $0x0;
	vm3 =	vne.s32 v4, s9  }
0x1d: {  	vm2 =	vne.s32 v5, s9;
	v6 =	vsel vm3, $0x1, v2  }
0x1e: {  	v8 =	vmov s9;
	vm4 =	veq.s32 v4, s9;
	v7 =	vsel vm2, $0x1, v2;
	(xrf0) =	vadd.scan.msk.s32 $0xffff, v6  }
0x1f: {  	v4 =	vor.u32 $0x80000000, v0;
	vm3 =	veq.s32 v5, s9;
	vm6 =	vne.s32 v8, v0;
	(xrf0) =	vadd.scan.msk.s32 $0xffff, v7  }
0x20: {  	vm5 =	vne.s32 v8, v1;
	v5 =	vsel vm4, $0x1, v2;
	vm6 =	vmand vm4, vm6  }
0x21: {  	v3 =	vor.u32 $0x80000010, v0;
	vm5 =	vmand vm3, vm5;
	(xrf0) =	vadd.scan.msk.s32 $0xffff, v5;
	v5 =	vnsel vm6, $0x80000040, v4  }
0x22: {  	v7 =	vnsel vm5, $0x80000040, v3  }
0x23: {  	(xrf0) =	vmin.scan.msk.u32 $0xffff, v7  }
0x24: {  	(xrf0) =	vmin.scan.msk.u32 $0xffff, v5;
	v5, _, _ =	vpop (xrf0)  }
0x25: {  	v7, _, _ =	vpop (xrf0);
	(v2sf) =	vpush v5, $0xF  }
0x26: {  	(v2sf) =	vpush v7, $0xF;
	_ =	sdelay $0x1  }
0x27: {  	v57, _, _ =	vpop (xrf0)  }
0x28: {  	v9, _, _ =	vpop (xrf0)  }
0x29: {  	v10, _, _ =	vpop (xrf0);
	(v2sf) =	vpush v9, $0xF  }
0x2a: {  	(v2sf) =	vpush v10, $0xF;
	_ =	sdelay $0x2  }
0x2b: {  	v58 =	vsel vm3, $0x1, v2  }
0x2c: {  	(xrf0) =	vadd.scan.msk.s32 $0xffff, v58;
	_ =	sdelay $0x4  }
0x2d: {  	v11 =	vsel vm4, $0xFFFFFFFF, v2;
	v61 =	vsel vm2, $0xFFFFFFFF, v2;
	s25 =	spop (v2sf)  }
0x2e: {  	v59 =	vsel vm3, $0xFFFFFFFF, v2;
	v6 =	vsub.s32 v5, v6;
	v60 =	vbroadcast v57, $0xF;
	v9, _, _ =	vpop (xrf0);
	s26 =	spop (v2sf)  }
0x2f: {  	v5 =	vbroadcast v5, $0xF;
	v8 =	vadd.s32 v11, v57;
	v9 =	vadd.s32 v59, v9;
	s9 =	sadd.s32 s26, s25  }
0x30: {  	v7 =	vadd.s32 v61, v7;
	v9 =	vadd.s32 v60, v9;
	v8 =	vadd.s32 s9, v8  }
0x31: {  	v5 =	vadd.s32 v5, v7;
	v7 =	vadd.s32 s9, v9;
	v6 =	vsel vm4, v8, v6  }
0x32: {  	s28 =	spop (v2sf);
	v5 =	vsel vm3, v7, v5  }
0x33: {  	s29 =	spop (v2sf)  }
0x34: {  	s9 =	sxor.u32 $0x80000000, s28;
	s10 =	sxor.u32 $0x80000000, s29  }
0x35: {  	p0 =	slt.s32 s10, s9  }
0x36: {  	s8 =	ssub.s32 $0x2, s8;
	s9 =	smov.u32 @p0 s10;
	v6 =	vld.idx.msk [tilespmem:v6+s3+$0x0], $0xffff  }
0x37: {  	s30 =	sshrl.u32 s8, $0x1;
	p0 =	seq.s32 s9, $0x40;
	v5 =	vld.idx.msk [tilespmem:v5+s3+$0x0], $0xffff  }
0x38: {  	s8 =	ssub.s32 s8, s30;
	s9 =	simm.s32 @p0 $0x0  }
0x39: {  	s31 =	smax.u32 s8, $0x1;
	s9 =	scvt.s32.f32 s9  }
0x3a: {  	p0 =	sne.s32 s31, $0x1  }
.Ltmp0:
0x3b: {  	vm2 =	vcmask $0x300;
	v7 =	vmov s9;
	v62 =	vsub.f32 $0.0e+00, v6;
	(pc) =	sbr.rel @!p0 .LBB2_2-.Ltmp0, $4  }
0x3c: {  	v7 =	vnsel vm2, $0x0, v7;
	v63 =	vsub.f32 $0.0e+00, v5  }
0x3d: {  	[tilespmem:$0x120] =	vst v7;
	v6 =	vsel vm4, v62, v6  }
0x3e: {  	v5 =	vsel vm3, v63, v5;
	[tilespmem:$0x100] =	vst v6  }
0x3f: {  	s7 =	sadd.s32 $0xA00, s7;
	s8 =	simm.s32 $0x100;
	s9 =	sadd.s32 $0xFFFFFFFF, s31;
	[tilespmem:$0x110] =	vst v5  }
.LBB2_1:
0x40: {  	[hbm4b:s7+s3] =	stream.linear.scatter [tilespmem:s8], [sflag:$0x1], $0x80, $0x38;
	[tilespmem:$0x180] =	vst v63  }
0x41: {  	p0 =	sne.s32 s9, $0x1;
	s9 =	sadd.s32 $0xFFFFFFFF, s9;
	_ =	swait.ge [sflag:s4], $0x80  }
0x42: {  	[sflag:s4] =	ssyncset.done $0x0  }
0x43: {  	[sflag:s4] =	ssyncadd.s32 $0xFFFFFF80  }
0x44: {  	[tilespmem:s3], [sflag:$0x1] =	stream.linear.gather [hbm4b:s5+s3], $0x80, $0x38;
	[tilespmem:$0x180] =	vst v63  }
0x45: {  	_ =	swait.ge [sflag:s4], $0x80  }
0x46: {  	[sflag:s4] =	ssyncset.done $0x0  }
0x47: {  	[sflag:s4] =	ssyncadd.s32 $0xFFFFFF80  }
0x48: {  	[tilespmem:s6], [sflag:$0x1] =	stream.linear.gather [hbm4b:s2+s3], $0x80, $0x38;
	[tilespmem:$0x180] =	vst v63  }
0x49: {  	_ =	swait.ge [sflag:s4], $0x80  }
0x4a: {  	[sflag:s4] =	ssyncset.done $0x0  }
0x4b: {  	[sflag:s4] =	ssyncadd.s32 $0xFFFFFF80  }
0x4c: {  	v5 =	vld [tilespmem:$0x80]  }
0x4d: {  	v6 =	vld [tilespmem:$0x90];
	_ =	sdelay $0x3  }
0x4e: {  	v7 =	vnsel vm0, $0x0, v5  }
0x4f: {  	v8 =	vnsel vm1, $0x0, v6;
	(xrf0) =	vadd.scan.msk.s32 $0xffff, v7  }
0x50: {  	(xrf0) =	vadd.scan.msk.s32 $0xffff, v8;
	_ =	sdelay $0x4  }
0x51: {  	v7, _, _ =	vpop (xrf0)  }
0x52: {  	(v2sf) =	vpush v7, $0xF;
	v7, _, _ =	vpop (xrf0)  }
0x53: {  	(v2sf) =	vpush v7, $0xF;
	_ =	sdelay $0xd  }
0x54: {  	s10 =	spop (v2sf)  }
0x55: {  	s11 =	spop (v2sf)  }
0x56: {  	s10 =	sadd.s32 s10, s11  }
0x57: {  	v7 =	vmov s10;
	vm3 =	vne.s32 v5, s10;
	vm5 =	vne.s32 v6, s10  }
0x58: {  	v8 =	vsel vm3, $0x1, v2;
	v9 =	vsel vm5, $0x1, v2;
	vm6 =	vne.s32 v7, v0  }
0x59: {  	vm4 =	veq.s32 v5, s10;
	vm3 =	veq.s32 v6, s10;
	vm7 =	vne.s32 v7, v1;
	(xrf0) =	vadd.scan.msk.s32 $0xffff, v8  }
0x5a: {  	v5 =	vsel vm4, $0x1, v2;
	vm6 =	vmand vm4, vm6;
	vm7 =	vmand vm3, vm7;
	(xrf0) =	vadd.scan.msk.s32 $0xffff, v9  }
0x5b: {  	v6 =	vsel vm3, $0x1, v2;
	v7 =	vnsel vm6, $0x80000040, v4;
	v9 =	vnsel vm7, $0x80000040, v3;
	(xrf0) =	vadd.scan.msk.s32 $0xffff, v5  }
0x5c: {  	(xrf0) =	vmin.scan.msk.u32 $0xffff, v9  }
0x5d: {  	(xrf0) =	vmin.scan.msk.u32 $0xffff, v7  }
0x5e: {  	(xrf0) =	vadd.scan.msk.s32 $0xffff, v6  }
0x5f: {  	v5 =	vsel vm5, $0xFFFFFFFF, v2;
	v6, _, _ =	vpop (xrf0)  }
0x60: {  	v7 =	vsub.s32 v6, v8;
	v8 =	vbroadcast v6, $0xF;
	v9, _, _ =	vpop (xrf0);
	(v2sf) =	vpush v6, $0xF  }
0x61: {  	v5 =	vadd.s32 v5, v9;
	v6, _, _ =	vpop (xrf0);
	(v2sf) =	vpush v9, $0xF  }
0x62: {  	v5 =	vadd.s32 v8, v5;
	v8 =	vbroadcast v6, $0xF;
	v9, _, _ =	vpop (xrf0)  }
0x63: {  	v10, _, _ =	vpop (xrf0);
	(v2sf) =	vpush v9, $0xF  }
0x64: {  	v9, _, _ =	vpop (xrf0);
	(v2sf) =	vpush v10, $0xF;
	_ =	sdelay $0xa  }
0x65: {  	v10 =	vsel vm3, $0xFFFFFFFF, v2;
	s10 =	spop (v2sf)  }
0x66: {  	v11 =	vsel vm4, $0xFFFFFFFF, v2;
	v9 =	vadd.s32 v10, v9;
	s11 =	spop (v2sf)  }
0x67: {  	v6 =	vadd.s32 v11, v6;
	v8 =	vadd.s32 v8, v9;
	s10 =	sadd.s32 s11, s10  }
0x68: {  	v6 =	vadd.s32 s10, v6;
	v8 =	vadd.s32 s10, v8;
	s10 =	spop (v2sf)  }
0x69: {  	v6 =	vsel vm4, v6, v7;
	v5 =	vsel vm3, v8, v5;
	s11 =	spop (v2sf)  }
0x6a: {  	s10 =	sxor.u32 $0x80000000, s10;
	s11 =	sxor.u32 $0x80000000, s11  }
0x6b: {  	p1 =	slt.s32 s11, s10  }
0x6c: {  	s10 =	smov.u32 @p1 s11  }
0x6d: {  	p1 =	seq.s32 s10, $0x40  }
0x6e: {  	v6 =	vld.idx.msk [tilespmem:v6+s3+$0x0], $0xffff;
	s10 =	simm.s32 @p1 $0x0  }
0x6f: {  	v5 =	vld.idx.msk [tilespmem:v5+s3+$0x0], $0xffff;
	s10 =	scvt.s32.f32 s10;
	_ =	sdelay $0x1  }
0x70: {  	v7 =	vmov s10  }
0x71: {  	v7 =	vnsel vm2, $0x0, v7  }
0x72: {  	[tilespmem:$0x120] =	vst v7  }
.Ltmp1:
0x73: {  	v7 =	vsub.f32 $0.0e+00, v6;
	(pc) =	sbr.rel @p0 .LBB2_1-.Ltmp1, $4  }
0x74: {  	v8 =	vsub.f32 $0.0e+00, v5  }
0x75: {  	v6 =	vsel vm4, v7, v6  }
0x76: {  	v5 =	vsel vm3, v8, v5;
	[tilespmem:$0x100] =	vst v6  }
0x77: {  	[tilespmem:$0x110] =	vst v5  }
.LBB2_2:
0x78: {  	[hbm4b:s7+s3] =	stream.linear.scatter [tilespmem:s8], [sflag:$0x1], $0x80, $0x38;
	[tilespmem:$0x180] =	vst v63  }
0x79: {  	_ =	swait.ge [sflag:s4], $0x80  }
0x7a: {  	[sflag:s4] =	ssyncset.done $0x0  }
0x7b: {  	[sflag:s4] =	ssyncadd.s32 $0xFFFFFF80  }
0x7c: {  	_ =	sfence.sel $0x180000  }
0x7d: {  	[bflag:$0x0] =	sbarrier.arrive $0xFFFF  }
0x7e: {  	p0 =	sne.s32 s0, $0x0;
	_ =	strace $0x90000047  }
0x7f: {  	s0 =	sadd.s32 @!p0 $0x100000, s1;
	[bflag:$0x2] =	sbarrier.arrive $0xFFFF  }
0x80: {  	[sflag:s0] =	ssyncadd.tile.s32 @!p0 $0x1;
	_ =	shalt  }
.Lfunc_end2:
_tile_overlayer_lowered:
.L_overlay_start_2:
0x81: {  	(tag) =	ssettag $0x2  }
0x82: {  	s0 =	rddreg [dreg:$0x0];
	s2 =	stileid.u32  }
0x83: {  	s1 =	rddreg [dreg:$0x1];
	p0 =	sne.s32 s2, $0x0  }
0x84: {  	s3 =	rddreg [dreg:$0x2];
	[bflag:$0x3] =	sbarrier.arrive $0xFFFF;
	s2 =	simm.s32 @!p0 $0x1C01  }
0x85: {  	[timem:s3], [sflag:s2] =	dma.local @!p0 [hbm:s0], s1  }
0x86: {  	s0 =	simm.s32 @!p0 $0x1  }
0x87: {  	_ =	swait.ge @!p0 [sflag:s0], s1  }
0x88: {  	s1 =	ssub.s32 @!p0 $0x0, s1;
	[sflag:s0] =	ssyncset.done @!p0 $0x0  }
0x89: {  	[sflag:s0] =	ssyncadd.s32 @!p0 s1  }
0x8a: {  	[bflag:$0x3] =	sbarrier.arrive $0xFFFF  }
0x8b: {  	_ =	shalt  }

</sc_bundles>
